<compile_context>
chip_gen: v7x
topology: tpu7x:2x2x1
jax: 0.10.2.dev20260603
libtpu: 0.0.44.dev20260713+nightly
codegen_flags: <defaults>
</compile_context>

<pallas_src>
import functools

import jax
import jax.numpy as jnp
from jax import lax
from jax.experimental import pallas as pl
from jax.experimental.pallas import tpu as pltpu
from jax.experimental.pallas import tpu_sc as plsc

BZ = 8
N = 2048
K = 16
RB = 256
NBLK = BZ * (N // RB)
NW = 32
ROWS = BZ * N * K
RPW = ROWS // NW
CHUNK = 128
NCH = RPW // CHUNK


def _topk_body(b0, pos_ref, post_ref, idx_ref):
    b = pl.program_id(0) + b0
    p = pos_ref[0]
    pt = post_ref[0]
    sq_r = jnp.sum(p * p, axis=1, keepdims=True)
    sq_c = jnp.sum(pt * pt, axis=0, keepdims=True)
    d = sq_r + sq_c - 2.0 * jnp.dot(p, pt, preferred_element_type=jnp.float32)
    NL = N // 4
    inf = jnp.float32(jnp.inf)
    iota = lax.broadcasted_iota(jnp.int32, (RB, NL), 1).astype(jnp.float32)
    V = [d[:, s * NL:(s + 1) * NL] for s in range(4)]
    F = [iota + jnp.float32(s * NL) for s in range(4)]
    for rnd in range(4):
        for i, j in ((0, 1), (2, 3)) if rnd % 2 == 0 else ((1, 2),):
            c = V[j] < V[i]
            V[i], V[j] = jnp.where(c, V[j], V[i]), jnp.where(c, V[i], V[j])
            F[i], F[j] = jnp.where(c, F[j], F[i]), jnp.where(c, F[i], F[j])
    lane = lax.broadcasted_iota(jnp.int32, (RB, K), 1)
    out = jnp.zeros((RB, K), jnp.float32)
    for r in range(K):
        m = jnp.min(V[0], axis=1, keepdims=True)
        sel = jnp.min(jnp.where(V[0] == m, F[0], jnp.float32(N)), axis=1,
                      keepdims=True)
        win = F[0] == sel
        V[0] = jnp.where(win, V[1], V[0])
        V[1] = jnp.where(win, V[2], V[1])
        V[2] = jnp.where(win, V[3], V[2])
        V[3] = jnp.where(win, inf, V[3])
        F[0] = jnp.where(win, F[1], F[0])
        F[1] = jnp.where(win, F[2], F[1])
        F[2] = jnp.where(win, F[3], F[2])
        out = jnp.where(lane == r, sel, out)
    idx_ref[0, 0] = out.T.astype(jnp.int32) + b * N


def _topk(pos, post, b0):
    hb = pos.shape[0]
    return pl.pallas_call(
        functools.partial(_topk_body, b0),
        grid=(hb, N // RB),
        in_specs=[
            pl.BlockSpec((1, RB, 3), lambda b, n: (b, n, 0)),
            pl.BlockSpec((1, 3, N), lambda b, n: (b, 0, 0)),
        ],
        out_specs=pl.BlockSpec((1, 1, K, RB), lambda b, n: (b, n, 0, 0)),
        out_shape=jax.ShapeDtypeStruct((hb, N // RB, K, RB), jnp.int32),
        compiler_params=pltpu.CompilerParams(
            dimension_semantics=("parallel", "parallel")),
    )(pos, post)


def _sc_gather_body(nch, table, gidx, out, idx_v, rows_v, sem):
    c = lax.axis_index("c")
    s = lax.axis_index("s")
    wid = s * 2 + c
    rpw = nch * CHUNK
    pltpu.sync_copy(gidx.at[wid], idx_v)

    def chunk(j, carry):
        pltpu.async_copy(table.at[idx_v.at[j]], rows_v, sem).wait()
        pltpu.sync_copy(rows_v, out.at[pl.ds(wid * rpw + j * CHUNK, CHUNK)])
        return carry

    lax.fori_loop(0, nch, chunk, 0)


@functools.lru_cache(maxsize=2)
def _sc_gather_kernel(nch):
    return pl.kernel(
        functools.partial(_sc_gather_body, nch),
        out_type=jax.ShapeDtypeStruct((NW * nch * CHUNK, 128), jnp.float32),
        mesh=plsc.VectorSubcoreMesh(core_axis_name="c", subcore_axis_name="s"),
        scratch_types=[
            pltpu.VMEM((nch, CHUNK), jnp.int32),
            pltpu.VMEM((CHUNK, 128), jnp.float32),
            pltpu.SemaphoreType.DMA,
        ],
    )


def _sc_gather(table, gidx):
    return _sc_gather_kernel(gidx.shape[1])(table, gidx)


def _relmlp_body(g_ref, post_ref, waT_ref, wbT_ref, wcT_ref, w9c_ref,
                 br1c_ref, wr2T_ref, br2c_ref, wr3T_ref, br3c_ref, wf1T_ref,
                 bf1c_ref, h1_ref, acc_ref):
    i = pl.program_id(0)
    bf16 = jnp.bfloat16
    dot = functools.partial(jnp.dot, preferred_element_type=jnp.float32)
    g = g_ref[0]
    gT = g.T
    pT = post_ref[0]
    gposT = gT[0:3, :]
    centerT = jnp.concatenate([pT] * K, axis=1)
    relT = gposT - centerT
    e2 = (relT[0:1, :] * relT[0:1, :] + relT[1:2, :] * relT[1:2, :]
          + relT[2:3, :] * relT[2:3, :])
    euclidT = jnp.sqrt(e2 + 1e-12)
    pcs = dot(waT_ref[...].astype(bf16), pT.astype(bf16))
    pcT = jnp.concatenate([pcs] * K, axis=1)
    hgT = dot(wbT_ref[...].astype(bf16), gposT.astype(bf16))
    hrT = dot(wcT_ref[...].astype(bf16), relT.astype(bf16))
    heT = (w9c_ref[...].astype(bf16).astype(jnp.float32)
           * euclidT.astype(bf16).astype(jnp.float32))
    h = jax.nn.relu(pcT + hgT + hrT + heT + br1c_ref[...])
    h = jax.nn.relu(
        dot(wr2T_ref[...].astype(bf16), h.astype(bf16)) + br2c_ref[...])
    cwT = dot(wr3T_ref[...].astype(bf16), h.astype(bf16)) \
        + br3c_ref[...]
    prodT = cwT * gT
    gfT = prodT[:, 0:RB]
    for k in range(1, K):
        gfT = jnp.maximum(gfT, prodT[:, k * RB:(k + 1) * RB])
    gfT = jax.nn.relu(gfT)
    h1T = dot(wf1T_ref[...].astype(bf16), gfT.astype(bf16)) \
        + bf1c_ref[...]
    h1_ref[0] = h1T

    @pl.when(i == 0)
    def _():
        acc_ref[...] = jnp.zeros((128, 8), jnp.float32)

    acc_ref[:, 0:1] += jnp.sum(h1T, axis=1, keepdims=True)
    acc_ref[:, 1:2] += jnp.sum(h1T * h1T, axis=1, keepdims=True)


def _relmlp(g, post, waT, wbT, wcT, w9c, br1c, wr2T, br2c, wr3T, br3c,
            wf1T, bf1c):
    nblk = g.shape[0]
    full = lambda shape: pl.BlockSpec(shape, lambda i: tuple(0 for _ in shape))
    return pl.pallas_call(
        _relmlp_body,
        grid=(nblk,),
        in_specs=[
            pl.BlockSpec((1, RB * K, 128), lambda i: (i, 0, 0)),
            pl.BlockSpec((1, 3, RB), lambda i: (i, 0, 0)),
            full((32, 3)), full((32, 3)), full((32, 3)), full((32, 1)),
            full((32, 1)),
            full((128, 32)), full((128, 1)),
            full((128, 128)), full((128, 1)),
            full((128, 128)), full((128, 1)),
        ],
        out_specs=[
            pl.BlockSpec((1, 128, RB), lambda i: (i, 0, 0)),
            pl.BlockSpec((128, 8), lambda i: (0, 0)),
        ],
        out_shape=[
            jax.ShapeDtypeStruct((nblk, 128, RB), jnp.float32),
            jax.ShapeDtypeStruct((128, 8), jnp.float32),
        ],
        compiler_params=pltpu.CompilerParams(
            dimension_semantics=("arbitrary",)),
    )(g, post, waT, wbT, wcT, w9c, br1c, wr2T, br2c, wr3T, br3c, wf1T, bf1c)


def _fc2_body(h1_ref, sc1_ref, sh1_ref, wf2T_ref, bf2_ref, u_ref, acc_ref):
    i = pl.program_id(0)
    t = jax.nn.relu(h1_ref[0] * sc1_ref[...] + sh1_ref[...])
    u = jnp.dot(wf2T_ref[...].astype(jnp.bfloat16),
                t.astype(jnp.bfloat16),
                preferred_element_type=jnp.float32) + bf2_ref[...]
    u_ref[0] = u

    @pl.when(i == 0)
    def _():
        acc_ref[...] = jnp.zeros((128, 8), jnp.float32)

    acc_ref[:, 0:1] += jnp.sum(u, axis=1, keepdims=True)
    acc_ref[:, 1:2] += jnp.sum(u * u, axis=1, keepdims=True)


def _fc2(h1, sc1, sh1, wf2T, bf2):
    nblk = h1.shape[0]
    full = lambda shape: pl.BlockSpec(shape, lambda i: tuple(0 for _ in shape))
    return pl.pallas_call(
        _fc2_body,
        grid=(nblk,),
        in_specs=[
            pl.BlockSpec((1, 128, RB), lambda i: (i, 0, 0)),
            full((128, 1)), full((128, 1)), full((128, 128)), full((128, 1)),
        ],
        out_specs=[
            pl.BlockSpec((1, 128, RB), lambda i: (i, 0, 0)),
            pl.BlockSpec((128, 8), lambda i: (0, 0)),
        ],
        out_shape=[
            jax.ShapeDtypeStruct((nblk, 128, RB), jnp.float32),
            jax.ShapeDtypeStruct((128, 8), jnp.float32),
        ],
        compiler_params=pltpu.CompilerParams(
            dimension_semantics=("arbitrary",)),
    )(h1, sc1, sh1, wf2T, bf2)


def _bn2_body(u_ref, sc2_ref, sh2_ref, out_ref):
    out_ref[0] = (u_ref[0] * sc2_ref[...] + sh2_ref[...]).T


def _bn2(u, sc2, sh2):
    nblk = u.shape[0]
    full = lambda shape: pl.BlockSpec(shape, lambda i: tuple(0 for _ in shape))
    return pl.pallas_call(
        _bn2_body,
        grid=(nblk,),
        in_specs=[
            pl.BlockSpec((1, 128, RB), lambda i: (i, 0, 0)),
            full((128, 1)), full((128, 1)),
        ],
        out_specs=pl.BlockSpec((1, RB, 128), lambda i: (i, 0, 0)),
        out_shape=jax.ShapeDtypeStruct((nblk, RB, 128), jnp.float32),
    )(u, sc2, sh2)


@jax.jit
def kernel(x, pos, Wr1, br1, Wr2, br2, Wr3, br3, Wf1, bf1, g1, be1,
           Wf2, bf2, g2, be2):
    f32 = jnp.float32
    perm = jnp.concatenate(
        [jnp.arange(125, 128), jnp.arange(0, 125)]).astype(jnp.int32)
    wr3T = Wr3[:, perm].T
    br3c = br3[perm].reshape(128, 1)
    wf1T = Wf1[perm, :].T

    waT = Wr1[0:3].T
    wbT = Wr1[3:6].T
    wcT = Wr1[6:9].T
    w9c = Wr1[9:10].T

    post = pos.transpose(0, 2, 1)
    feat = jnp.concatenate([pos, x], axis=-1).reshape(BZ * N, 128)
    posT = post.reshape(BZ, 3, N // RB, RB).transpose(0, 2, 1, 3) \
        .reshape(NBLK, 3, RB)

    HB = BZ // 2
    HBLK = NBLK // 2
    wr2T = Wr2.T
    br1c = br1.reshape(32, 1)
    br2c = br2.reshape(128, 1)
    bf1c = bf1.reshape(128, 1)
    h1s, accs = [], []
    for h in range(2):
        gi = _topk(pos[h * HB:(h + 1) * HB], post[h * HB:(h + 1) * HB],
                   h * HB)
        gh = _sc_gather(feat, gi.reshape(NW, NCH // 2, CHUNK))
        h1h, acch = _relmlp(
            gh.reshape(HBLK, RB * K, 128),
            posT[h * HBLK:(h + 1) * HBLK],
            waT, wbT, wcT, w9c, br1c, wr2T, br2c, wr3T, br3c, wf1T, bf1c)
        h1s.append(h1h)
        accs.append(acch)

    cnt = jnp.float32(BZ * N)
    acc1 = accs[0] + accs[1]
    m1 = acc1[:, 0:1] / cnt
    v1 = acc1[:, 1:2] / cnt - m1 * m1
    sc1 = g1.reshape(128, 1) / jnp.sqrt(v1 + 1e-5)
    sh1 = be1.reshape(128, 1) - m1 * sc1

    wf2T = Wf2.T
    bf2c = bf2.reshape(128, 1)
    us, acc2s = [], []
    for h in range(2):
        uh, acc2h = _fc2(h1s[h], sc1, sh1, wf2T, bf2c)
        us.append(uh)
        acc2s.append(acc2h)
    acc2 = acc2s[0] + acc2s[1]
    m2 = acc2[:, 0:1] / cnt
    v2 = acc2[:, 1:2] / cnt - m2 * m2
    sc2 = g2.reshape(128, 1) / jnp.sqrt(v2 + 1e-5)
    sh2 = be2.reshape(128, 1) - m2 * sc2

    out = jnp.concatenate([_bn2(us[0], sc2, sh2), _bn2(us[1], sc2, sh2)],
                          axis=0)
    return out.reshape(BZ, N, 128).astype(f32)

# --- scband reference (transcript-rebuilt; emitter-appended) ---
"""Pipeline reference for scband-relation-conv-90185723281819 (READ-ONLY COPY).

The authoritative reference and input builder live on the scoring server;
editing this copy changes nothing except your own understanding.
"""

import jax, jax.numpy as jnp
import numpy as np

K = 16

def setup_inputs(seed: int = 0) -> dict:
    key = jax.random.key(seed)
    ks = jax.random.split(key, 10)
    def w(k, shape, fan_in):
        return jax.random.normal(k, shape, dtype=jnp.float32) * (1.0 / np.sqrt(fan_in))
    d = {}
    d['x'] = jax.random.normal(ks[0], (8, 2048, 125), dtype=jnp.float32)
    d['pos'] = jax.random.uniform(ks[1], (8, 2048, 3), dtype=jnp.float32)
    # relation_vec_to_weights_net: 10 -> 32 -> 128 -> 128 (1x1 convs, no bn, relu except last)
    d['Wr1'] = w(ks[2], (10, 32), 10);    d['br1'] = jnp.zeros((32,), jnp.float32)
    d['Wr2'] = w(ks[3], (32, 128), 32);   d['br2'] = jnp.zeros((128,), jnp.float32)
    d['Wr3'] = w(ks[4], (128, 128), 128); d['br3'] = jnp.zeros((128,), jnp.float32)
    # feat_mlp_net: 128 -> 128 -> 128 (1x1 convs + BN, relu except last since last_act=False)
    d['Wf1'] = w(ks[5], (128, 128), 128); d['bf1'] = jnp.zeros((128,), jnp.float32)
    d['g1'] = jnp.ones((128,), jnp.float32); d['be1'] = jnp.zeros((128,), jnp.float32)
    d['Wf2'] = w(ks[6], (128, 128), 128); d['bf2'] = jnp.zeros((128,), jnp.float32)
    d['g2'] = jnp.ones((128,), jnp.float32); d['be2'] = jnp.zeros((128,), jnp.float32)
    return d

def _bn(h, g, b, eps=1e-5):
    m = jnp.mean(h, axis=(0, 1, 2), keepdims=True)
    v = jnp.var(h, axis=(0, 1, 2), keepdims=True)
    return (h - m) / jnp.sqrt(v + eps) * g + b

def reference(x, pos, Wr1, br1, Wr2, br2, Wr3, br3, Wf1, bf1, g1, be1, Wf2, bf2, g2, be2):
    bz, N, _ = x.shape
    # sampled_idx = arange -> sampled_pos == pos
    sq = jnp.sum(pos * pos, axis=-1)
    dist = sq[:, :, None] + sq[:, None, :] - 2.0 * jnp.einsum('bnd,bmd->bnm', pos, pos)
    _, idx = jax.lax.top_k(-dist, K)  # k smallest distances  [bz, N, K]
    gathered_pos = jax.vmap(lambda p, i: p[i])(pos, idx)  # [bz, N, K, 3]
    gathered_x = jax.vmap(lambda v, i: v[i])(x, idx)      # [bz, N, K, 125]
    rel = gathered_pos - pos[:, :, None, :]
    euclid = jnp.sqrt(jnp.sum(rel * rel, axis=-1, keepdims=True) + 1e-12)
    center = jnp.broadcast_to(pos[:, :, None, :], gathered_pos.shape)
    relation_vec = jnp.concatenate([center, gathered_pos, rel, euclid], axis=-1)  # [bz,N,K,10]
    h = jax.nn.relu(relation_vec @ Wr1 + br1)
    h = jax.nn.relu(h @ Wr2 + br2)
    conv_weights = h @ Wr3 + br3                         # [bz,N,K,128]
    gathered_feat = jnp.concatenate([gathered_x, gathered_pos], axis=-1)  # [bz,N,K,128]
    gf = conv_weights * gathered_feat
    gf = jnp.max(gf, axis=2, keepdims=True)              # [bz,N,1,128]
    gf = jax.nn.relu(gf)
    h = jax.nn.relu(_bn(gf @ Wf1 + bf1, g1, be1))
    h = _bn(h @ Wf2 + bf2, g2, be2)
    return jnp.squeeze(h, axis=2)                        # [bz,N,128]

if __name__ == "__main__":
    import jax
    _d = setup_inputs()
    print(jax.jit(kernel)(*tuple(_d.values())))

</pallas_src>

<mosaic_0001>
#map = affine_map<(d0, d1) -> (0, 0)>
#map1 = affine_map<(d0, d1) -> (0, 0, 0)>
module attributes {stable_mosaic.version = 14 : i64} {
  func.func @_sc_gather_body(%arg0: i32, %arg1: i32, %arg2: memref<16384x128xf32, #tpu.memory_space<hbm>>, %arg3: memref<32x32x128xi32, #tpu.memory_space<hbm>>, %arg4: memref<131072x128xf32, #tpu.memory_space<hbm>>, %arg5: memref<32x128xi32, #tpu.memory_space<vmem>>, %arg6: memref<128x128xf32, #tpu.memory_space<vmem>>, %arg7: memref<!tpu.dma_semaphore, #tpu.memory_space<semaphore_mem>>) attributes {dimension_semantics = [#tpu.dimension_semantics<core_parallel>, #tpu.dimension_semantics<subcore_parallel>], iteration_bounds = array<i64: 2, 16>, scalar_prefetch = 0 : i64, scratch_operands = 3 : i64, tpu.core_type = #tpu.core_type<sc_vector_subcore>, window_params = [{transform_indices = #map}, {transform_indices = #map1}, {transform_indices = #map}]} {
    %mul3A = arith.constant 2 : i32
    %mul3A_0 = arith.muli %arg1, %mul3A : i32
    %add3A = arith.addi %mul3A_0, %arg0 : i32
    "tpu.region"() ({
      %run_scoped3A = tpu.sem_alloc : memref<!tpu.dma_semaphore, #tpu.memory_space<semaphore_mem>>
      %dma_start3A = arith.constant 0 : i32
      %dma_start3A_6 = arith.constant 0 : i32
      %dma_start3A_7 = tpu.memref_slice %arg3[%add3A, %dma_start3A, %dma_start3A_6] : memref<32x32x128xi32, #tpu.memory_space<hbm>> -> memref<1x32x128xi32, #tpu.memory_space<hbm>>
      %dma_start3A_8 = tpu.memref_squeeze %dma_start3A_7 : memref<1x32x128xi32, #tpu.memory_space<hbm>> -> memref<32x128xi32, #tpu.memory_space<hbm>>
      %dma_start3A_9 = arith.constant 0 : i32
      %dma_start3A_10 = arith.constant 0 : i32
      %dma_start3A_11 = tpu.memref_slice %arg3[%add3A, %dma_start3A_9, %dma_start3A_10] : memref<32x32x128xi32, #tpu.memory_space<hbm>> -> memref<1x32x128xi32, #tpu.memory_space<hbm>>
      %dma_start3A_12 = tpu.memref_squeeze %dma_start3A_11 : memref<1x32x128xi32, #tpu.memory_space<hbm>> -> memref<32x128xi32, #tpu.memory_space<hbm>>
      tpu.enqueue_dma source(%dma_start3A_12 : memref<32x128xi32, #tpu.memory_space<hbm>>) target(%arg5 : memref<32x128xi32, #tpu.memory_space<vmem>>) target_semaphore(%run_scoped3A : memref<!tpu.dma_semaphore, #tpu.memory_space<semaphore_mem>>)
      %dma_wait3A = arith.constant 0 : i32
      %dma_wait3A_13 = arith.constant 0 : i32
      %dma_wait3A_14 = tpu.memref_slice %arg3[%add3A, %dma_wait3A, %dma_wait3A_13] : memref<32x32x128xi32, #tpu.memory_space<hbm>> -> memref<1x32x128xi32, #tpu.memory_space<hbm>>
      %dma_wait3A_15 = tpu.memref_squeeze %dma_wait3A_14 : memref<1x32x128xi32, #tpu.memory_space<hbm>> -> memref<32x128xi32, #tpu.memory_space<hbm>>
      %dma_wait3A_16 = arith.constant 0 : i32
      %dma_wait3A_17 = arith.constant 0 : i32
      %dma_wait3A_18 = tpu.memref_slice %arg3[%add3A, %dma_wait3A_16, %dma_wait3A_17] : memref<32x32x128xi32, #tpu.memory_space<hbm>> -> memref<1x32x128xi32, #tpu.memory_space<hbm>>
      %dma_wait3A_19 = tpu.memref_squeeze %dma_wait3A_18 : memref<1x32x128xi32, #tpu.memory_space<hbm>> -> memref<32x128xi32, #tpu.memory_space<hbm>>
      tpu.wait_dma2 semaphore(%run_scoped3A : memref<!tpu.dma_semaphore, #tpu.memory_space<semaphore_mem>>) src(%dma_wait3A_19 : memref<32x128xi32, #tpu.memory_space<hbm>>) dst(%arg5 : memref<32x128xi32, #tpu.memory_space<vmem>>)
      tpu.yield
    }) : () -> ()
    %scan3A = arith.constant 0 : i32
    %scan3A_1 = arith.constant 0 : i32
    %scan3A_2 = arith.constant 32 : i32
    %scan3A_3 = arith.addi %scan3A_1, %scan3A_2 : i32
    %scan3A_4 = arith.constant 1 : i32
    scf.for %scan3A_6 = %scan3A_1 to %scan3A_3 step %scan3A_4  : i32 {
      %dma_start3A = arith.constant 0 : i32
      %dma_start3A_7 = tpu.memref_slice %arg5[%scan3A_6, %dma_start3A] : memref<32x128xi32, #tpu.memory_space<vmem>> -> memref<1x128xi32, #tpu.memory_space<vmem>>
      %dma_start3A_8 = tpu.memref_squeeze %dma_start3A_7 : memref<1x128xi32, #tpu.memory_space<vmem>> -> memref<128xi32, #tpu.memory_space<vmem>>
      %dma_start3A_9 = arith.constant 0 : i32
      %dma_start3A_10 = arith.constant 0 : i32
      %dma_start3A_11 = tpu.memref_slice %arg2[%dma_start3A_9, %dma_start3A_10] : memref<16384x128xf32, #tpu.memory_space<hbm>> -> memref<16384x128xf32, #tpu.memory_space<hbm>>
      tpu.enqueue_indirect_dma source(%dma_start3A_11 : memref<16384x128xf32, #tpu.memory_space<hbm>>) target(%arg6 : memref<128x128xf32, #tpu.memory_space<vmem>>) offsets(%dma_start3A_8 : memref<128xi32, #tpu.memory_space<vmem>>) semaphore(%arg7 : memref<!tpu.dma_semaphore, #tpu.memory_space<semaphore_mem>>)
      %dma_wait3A = arith.constant 0 : i32
      %dma_wait3A_12 = tpu.memref_slice %arg5[%scan3A_6, %dma_wait3A] : memref<32x128xi32, #tpu.memory_space<vmem>> -> memref<1x128xi32, #tpu.memory_space<vmem>>
      %dma_wait3A_13 = tpu.memref_squeeze %dma_wait3A_12 : memref<1x128xi32, #tpu.memory_space<vmem>> -> memref<128xi32, #tpu.memory_space<vmem>>
      %dma_wait3A_14 = arith.constant 0 : i32
      %dma_wait3A_15 = arith.constant 0 : i32
      %dma_wait3A_16 = tpu.memref_slice %arg2[%dma_wait3A_14, %dma_wait3A_15] : memref<16384x128xf32, #tpu.memory_space<hbm>> -> memref<16384x128xf32, #tpu.memory_space<hbm>>
      tpu.wait_indirect_dma semaphore(%arg7 : memref<!tpu.dma_semaphore, #tpu.memory_space<semaphore_mem>>) src(%dma_wait3A_16 : memref<16384x128xf32, #tpu.memory_space<hbm>>) dst(%arg6 : memref<128x128xf32, #tpu.memory_space<vmem>>)
      %mul3A_17 = arith.constant 4096 : i32
      %mul3A_18 = arith.muli %add3A, %mul3A_17 : i32
      %mul3A_19 = arith.constant 128 : i32
      %mul3A_20 = arith.muli %scan3A_6, %mul3A_19 : i32
      %add3A_21 = arith.addi %mul3A_18, %mul3A_20 : i32
      "tpu.region"() ({
        %run_scoped3A = tpu.sem_alloc : memref<!tpu.dma_semaphore, #tpu.memory_space<semaphore_mem>>
        %dma_start3A_22 = arith.constant 0 : i32
        %dma_start3A_23 = tpu.memref_slice %arg4[%add3A_21, %dma_start3A_22] : memref<131072x128xf32, #tpu.memory_space<hbm>> -> memref<128x128xf32, #tpu.memory_space<hbm>>
        %dma_start3A_24 = arith.constant 0 : i32
        %dma_start3A_25 = tpu.memref_slice %arg4[%add3A_21, %dma_start3A_24] : memref<131072x128xf32, #tpu.memory_space<hbm>> -> memref<128x128xf32, #tpu.memory_space<hbm>>
        tpu.enqueue_dma source(%arg6 : memref<128x128xf32, #tpu.memory_space<vmem>>) target(%dma_start3A_25 : memref<128x128xf32, #tpu.memory_space<hbm>>) target_semaphore(%run_scoped3A : memref<!tpu.dma_semaphore, #tpu.memory_space<semaphore_mem>>)
        %dma_wait3A_26 = arith.constant 0 : i32
        %dma_wait3A_27 = tpu.memref_slice %arg4[%add3A_21, %dma_wait3A_26] : memref<131072x128xf32, #tpu.memory_space<hbm>> -> memref<128x128xf32, #tpu.memory_space<hbm>>
        %dma_wait3A_28 = arith.constant 0 : i32
        %dma_wait3A_29 = tpu.memref_slice %arg4[%add3A_21, %dma_wait3A_28] : memref<131072x128xf32, #tpu.memory_space<hbm>> -> memref<128x128xf32, #tpu.memory_space<hbm>>
        tpu.wait_dma2 semaphore(%run_scoped3A : memref<!tpu.dma_semaphore, #tpu.memory_space<semaphore_mem>>) src(%arg6 : memref<128x128xf32, #tpu.memory_space<vmem>>) dst(%dma_wait3A_29 : memref<128x128xf32, #tpu.memory_space<hbm>>)
        tpu.yield
      }) : () -> ()
    }
    %scan3A_5 = arith.constant 32 : i32
    return
  }
}

#map = affine_map<(d0, d1) -> (0, 0)>
#map1 = affine_map<(d0, d1) -> (0, 0, 0)>
module attributes {stable_mosaic.version = 14 : i64} {
  func.func @_sc_gather_body(%arg0: i32, %arg1: i32, %arg2: memref<16384x128xf32, #tpu.memory_space<hbm>>, %arg3: memref<32x32x128xi32, #tpu.memory_space<hbm>>, %arg4: memref<131072x128xf32, #tpu.memory_space<hbm>>, %arg5: memref<32x128xi32, #tpu.memory_space<vmem>>, %arg6: memref<128x128xf32, #tpu.memory_space<vmem>>, %arg7: memref<!tpu.dma_semaphore, #tpu.memory_space<semaphore_mem>>) attributes {dimension_semantics = [#tpu.dimension_semantics<core_parallel>, #tpu.dimension_semantics<subcore_parallel>], iteration_bounds = array<i64: 2, 16>, scalar_prefetch = 0 : i64, scratch_operands = 3 : i64, tpu.core_type = #tpu.core_type<sc_vector_subcore>, window_params = [{transform_indices = #map}, {transform_indices = #map1}, {transform_indices = #map}]} {
    %mul3A = arith.constant 2 : i32
    %mul3A_0 = arith.muli %arg1, %mul3A : i32
    %add3A = arith.addi %mul3A_0, %arg0 : i32
    "tpu.region"() ({
      %run_scoped3A = tpu.sem_alloc : memref<!tpu.dma_semaphore, #tpu.memory_space<semaphore_mem>>
      %dma_start3A = arith.constant 0 : i32
      %dma_start3A_6 = arith.constant 0 : i32
      %dma_start3A_7 = tpu.memref_slice %arg3[%add3A, %dma_start3A, %dma_start3A_6] : memref<32x32x128xi32, #tpu.memory_space<hbm>> -> memref<1x32x128xi32, #tpu.memory_space<hbm>>
      %dma_start3A_8 = tpu.memref_squeeze %dma_start3A_7 : memref<1x32x128xi32, #tpu.memory_space<hbm>> -> memref<32x128xi32, #tpu.memory_space<hbm>>
      %dma_start3A_9 = arith.constant 0 : i32
      %dma_start3A_10 = arith.constant 0 : i32
      %dma_start3A_11 = tpu.memref_slice %arg3[%add3A, %dma_start3A_9, %dma_start3A_10] : memref<32x32x128xi32, #tpu.memory_space<hbm>> -> memref<1x32x128xi32, #tpu.memory_space<hbm>>
      %dma_start3A_12 = tpu.memref_squeeze %dma_start3A_11 : memref<1x32x128xi32, #tpu.memory_space<hbm>> -> memref<32x128xi32, #tpu.memory_space<hbm>>
      tpu.enqueue_dma source(%dma_start3A_12 : memref<32x128xi32, #tpu.memory_space<hbm>>) target(%arg5 : memref<32x128xi32, #tpu.memory_space<vmem>>) target_semaphore(%run_scoped3A : memref<!tpu.dma_semaphore, #tpu.memory_space<semaphore_mem>>)
      %dma_wait3A = arith.constant 0 : i32
      %dma_wait3A_13 = arith.constant 0 : i32
      %dma_wait3A_14 = tpu.memref_slice %arg3[%add3A, %dma_wait3A, %dma_wait3A_13] : memref<32x32x128xi32, #tpu.memory_space<hbm>> -> memref<1x32x128xi32, #tpu.memory_space<hbm>>
      %dma_wait3A_15 = tpu.memref_squeeze %dma_wait3A_14 : memref<1x32x128xi32, #tpu.memory_space<hbm>> -> memref<32x128xi32, #tpu.memory_space<hbm>>
      %dma_wait3A_16 = arith.constant 0 : i32
      %dma_wait3A_17 = arith.constant 0 : i32
      %dma_wait3A_18 = tpu.memref_slice %arg3[%add3A, %dma_wait3A_16, %dma_wait3A_17] : memref<32x32x128xi32, #tpu.memory_space<hbm>> -> memref<1x32x128xi32, #tpu.memory_space<hbm>>
      %dma_wait3A_19 = tpu.memref_squeeze %dma_wait3A_18 : memref<1x32x128xi32, #tpu.memory_space<hbm>> -> memref<32x128xi32, #tpu.memory_space<hbm>>
      tpu.wait_dma2 semaphore(%run_scoped3A : memref<!tpu.dma_semaphore, #tpu.memory_space<semaphore_mem>>) src(%dma_wait3A_19 : memref<32x128xi32, #tpu.memory_space<hbm>>) dst(%arg5 : memref<32x128xi32, #tpu.memory_space<vmem>>)
      tpu.yield
    }) : () -> ()
    %scan3A = arith.constant 0 : i32
    %scan3A_1 = arith.constant 0 : i32
    %scan3A_2 = arith.constant 32 : i32
    %scan3A_3 = arith.addi %scan3A_1, %scan3A_2 : i32
    %scan3A_4 = arith.constant 1 : i32
    scf.for %scan3A_6 = %scan3A_1 to %scan3A_3 step %scan3A_4  : i32 {
      %dma_start3A = arith.constant 0 : i32
      %dma_start3A_7 = tpu.memref_slice %arg5[%scan3A_6, %dma_start3A] : memref<32x128xi32, #tpu.memory_space<vmem>> -> memref<1x128xi32, #tpu.memory_space<vmem>>
      %dma_start3A_8 = tpu.memref_squeeze %dma_start3A_7 : memref<1x128xi32, #tpu.memory_space<vmem>> -> memref<128xi32, #tpu.memory_space<vmem>>
      %dma_start3A_9 = arith.constant 0 : i32
      %dma_start3A_10 = arith.constant 0 : i32
      %dma_start3A_11 = tpu.memref_slice %arg2[%dma_start3A_9, %dma_start3A_10] : memref<16384x128xf32, #tpu.memory_space<hbm>> -> memref<16384x128xf32, #tpu.memory_space<hbm>>
      tpu.enqueue_indirect_dma source(%dma_start3A_11 : memref<16384x128xf32, #tpu.memory_space<hbm>>) target(%arg6 : memref<128x128xf32, #tpu.memory_space<vmem>>) offsets(%dma_start3A_8 : memref<128xi32, #tpu.memory_space<vmem>>) semaphore(%arg7 : memref<!tpu.dma_semaphore, #tpu.memory_space<semaphore_mem>>)
      %dma_wait3A = arith.constant 0 : i32
      %dma_wait3A_12 = tpu.memref_slice %arg5[%scan3A_6, %dma_wait3A] : memref<32x128xi32, #tpu.memory_space<vmem>> -> memref<1x128xi32, #tpu.memory_space<vmem>>
      %dma_wait3A_13 = tpu.memref_squeeze %dma_wait3A_12 : memref<1x128xi32, #tpu.memory_space<vmem>> -> memref<128xi32, #tpu.memory_space<vmem>>
      %dma_wait3A_14 = arith.constant 0 : i32
      %dma_wait3A_15 = arith.constant 0 : i32
      %dma_wait3A_16 = tpu.memref_slice %arg2[%dma_wait3A_14, %dma_wait3A_15] : memref<16384x128xf32, #tpu.memory_space<hbm>> -> memref<16384x128xf32, #tpu.memory_space<hbm>>
      tpu.wait_indirect_dma semaphore(%arg7 : memref<!tpu.dma_semaphore, #tpu.memory_space<semaphore_mem>>) src(%dma_wait3A_16 : memref<16384x128xf32, #tpu.memory_space<hbm>>) dst(%arg6 : memref<128x128xf32, #tpu.memory_space<vmem>>)
      %mul3A_17 = arith.constant 4096 : i32
      %mul3A_18 = arith.muli %add3A, %mul3A_17 : i32
      %mul3A_19 = arith.constant 128 : i32
      %mul3A_20 = arith.muli %scan3A_6, %mul3A_19 : i32
      %add3A_21 = arith.addi %mul3A_18, %mul3A_20 : i32
      "tpu.region"() ({
        %run_scoped3A = tpu.sem_alloc : memref<!tpu.dma_semaphore, #tpu.memory_space<semaphore_mem>>
        %dma_start3A_22 = arith.constant 0 : i32
        %dma_start3A_23 = tpu.memref_slice %arg4[%add3A_21, %dma_start3A_22] : memref<131072x128xf32, #tpu.memory_space<hbm>> -> memref<128x128xf32, #tpu.memory_space<hbm>>
        %dma_start3A_24 = arith.constant 0 : i32
        %dma_start3A_25 = tpu.memref_slice %arg4[%add3A_21, %dma_start3A_24] : memref<131072x128xf32, #tpu.memory_space<hbm>> -> memref<128x128xf32, #tpu.memory_space<hbm>>
        tpu.enqueue_dma source(%arg6 : memref<128x128xf32, #tpu.memory_space<vmem>>) target(%dma_start3A_25 : memref<128x128xf32, #tpu.memory_space<hbm>>) target_semaphore(%run_scoped3A : memref<!tpu.dma_semaphore, #tpu.memory_space<semaphore_mem>>)
        %dma_wait3A_26 = arith.constant 0 : i32
        %dma_wait3A_27 = tpu.memref_slice %arg4[%add3A_21, %dma_wait3A_26] : memref<131072x128xf32, #tpu.memory_space<hbm>> -> memref<128x128xf32, #tpu.memory_space<hbm>>
        %dma_wait3A_28 = arith.constant 0 : i32
        %dma_wait3A_29 = tpu.memref_slice %arg4[%add3A_21, %dma_wait3A_28] : memref<131072x128xf32, #tpu.memory_space<hbm>> -> memref<128x128xf32, #tpu.memory_space<hbm>>
        tpu.wait_dma2 semaphore(%run_scoped3A : memref<!tpu.dma_semaphore, #tpu.memory_space<semaphore_mem>>) src(%arg6 : memref<128x128xf32, #tpu.memory_space<vmem>>) dst(%dma_wait3A_29 : memref<128x128xf32, #tpu.memory_space<hbm>>)
        tpu.yield
      }) : () -> ()
    }
    %scan3A_5 = arith.constant 32 : i32
    return
  }
}

module attributes {stable_mosaic.version = 14 : i64} {
  func.func @_topk_body(%arg0: i32, %arg1: i32, %arg2: memref<1x256x3xf32, #tpu.memory_space<vmem>>, %arg3: memref<1x3x2048xf32, #tpu.memory_space<vmem>>, %arg4: memref<1x1x16x256xi32, #tpu.memory_space<vmem>>) attributes {dimension_semantics = [#tpu.dimension_semantics<parallel>, #tpu.dimension_semantics<parallel>], iteration_bounds = array<i64: 4, 8>, scalar_prefetch = 0 : i64, scratch_operands = 0 : i64, tpu.core_type = #tpu.core_type<tc>, window_params = [{transform_indices = @transform_0, window_bounds = array<i64: 1, 256, 3>}, {transform_indices = @transform_1, window_bounds = array<i64: 1, 3, 2048>}, {transform_indices = @transform_2, window_bounds = array<i64: 1, 1, 16, 256>}]} {
    %add3A = arith.constant 0 : i32
    %add3A_0 = arith.addi %arg0, %add3A : i32
    %get3A = arith.constant 0 : index
    %get3A_1 = arith.constant 0 : index
    %get3A_2 = arith.constant 0 : index
    %get3A_3 = vector.load %arg2[%get3A, %get3A_1, %get3A_2] : memref<1x256x3xf32, #tpu.memory_space<vmem>>, vector<1x256x3xf32>
    %get3A_4 = vector.shape_cast %get3A_3 : vector<1x256x3xf32> to vector<256x3xf32>
    %get3A_5 = arith.constant 0 : index
    %get3A_6 = arith.constant 0 : index
    %get3A_7 = arith.constant 0 : index
    %get3A_8 = vector.load %arg3[%get3A_5, %get3A_6, %get3A_7] : memref<1x3x2048xf32, #tpu.memory_space<vmem>>, vector<1x3x2048xf32>
    %get3A_9 = vector.shape_cast %get3A_8 : vector<1x3x2048xf32> to vector<3x2048xf32>
    %mul3A = arith.mulf %get3A_4, %get3A_4 : vector<256x3xf32>
    %reduce_sum3A = arith.constant dense<0.000000e+00> : vector<256xf32>
    %reduce_sum3A_10 = vector.multi_reduction <add>, %mul3A, %reduce_sum3A [1] : vector<256x3xf32> to vector<256xf32>
    %broadcast_in_dim3A = vector.shape_cast %reduce_sum3A_10 : vector<256xf32> to vector<256x1xf32>
    %mul3A_11 = arith.mulf %get3A_9, %get3A_9 : vector<3x2048xf32>
    %reduce_sum3A_12 = arith.constant dense<0.000000e+00> : vector<2048xf32>
    %reduce_sum3A_13 = vector.multi_reduction <add>, %mul3A_11, %reduce_sum3A_12 [0] : vector<3x2048xf32> to vector<2048xf32>
    %broadcast_in_dim3A_14 = vector.shape_cast %reduce_sum3A_13 : vector<2048xf32> to vector<1x2048xf32>
    %add3A_15 = vector.broadcast %broadcast_in_dim3A : vector<256x1xf32> to vector<256x2048xf32>
    %add3A_16 = vector.broadcast %broadcast_in_dim3A_14 : vector<1x2048xf32> to vector<256x2048xf32>
    %add3A_17 = arith.addf %add3A_15, %add3A_16 : vector<256x2048xf32>
    %dot_general3A = arith.constant dense<0.000000e+00> : vector<256x2048xf32>
    %dot_general3A_18 = tpu.matmul %get3A_4, %get3A_9, %dot_general3A {dimension_numbers = #tpu.dot_dimension_numbers<[1], [0], [0], [1], [0, 0, 1, 1], [], []>, transpose_lhs_hint = false} : vector<256x3xf32>, vector<3x2048xf32>, vector<256x2048xf32> -> vector<256x2048xf32>
    %mul3A_19 = arith.constant 2.000000e+00 : f32
    %mul3A_20 = vector.broadcast %mul3A_19 : f32 to vector<256x2048xf32>
    %mul3A_21 = arith.mulf %mul3A_20, %dot_general3A_18 : vector<256x2048xf32>
    %sub3A = arith.subf %add3A_17, %mul3A_21 : vector<256x2048xf32>
    %iota3A = tpu.iota {dimensions = array<i32: 1>} : vector<256x512xi32>
    %convert_element_type3A = arith.sitofp %iota3A : vector<256x512xi32> to vector<256x512xf32>
    %slice3A = vector.extract_strided_slice %sub3A {offsets = [0, 0], sizes = [256, 512], strides = [1, 1]} : vector<256x2048xf32> to vector<256x512xf32>
    %slice3A_22 = vector.extract_strided_slice %sub3A {offsets = [0, 512], sizes = [256, 512], strides = [1, 1]} : vector<256x2048xf32> to vector<256x512xf32>
    %slice3A_23 = vector.extract_strided_slice %sub3A {offsets = [0, 1024], sizes = [256, 512], strides = [1, 1]} : vector<256x2048xf32> to vector<256x512xf32>
    %slice3A_24 = vector.extract_strided_slice %sub3A {offsets = [0, 1536], sizes = [256, 512], strides = [1, 1]} : vector<256x2048xf32> to vector<256x512xf32>
    %add3A_25 = arith.constant 0.000000e+00 : f32
    %add3A_26 = vector.broadcast %add3A_25 : f32 to vector<256x512xf32>
    %add3A_27 = arith.addf %convert_element_type3A, %add3A_26 : vector<256x512xf32>
    %add3A_28 = arith.constant 5.120000e+02 : f32
    %add3A_29 = vector.broadcast %add3A_28 : f32 to vector<256x512xf32>
    %add3A_30 = arith.addf %convert_element_type3A, %add3A_29 : vector<256x512xf32>
    %add3A_31 = arith.constant 1.024000e+03 : f32
    %add3A_32 = vector.broadcast %add3A_31 : f32 to vector<256x512xf32>
    %add3A_33 = arith.addf %convert_element_type3A, %add3A_32 : vector<256x512xf32>
    %add3A_34 = arith.constant 1.536000e+03 : f32
    %add3A_35 = vector.broadcast %add3A_34 : f32 to vector<256x512xf32>
    %add3A_36 = arith.addf %convert_element_type3A, %add3A_35 : vector<256x512xf32>
    %lt3A = arith.cmpf olt, %slice3A_22, %slice3A : vector<256x512xf32>
    %select_n3A = arith.select %lt3A, %slice3A_22, %slice3A : vector<256x512xi1>, vector<256x512xf32>
    %select_n3A_37 = arith.select %lt3A, %slice3A, %slice3A_22 : vector<256x512xi1>, vector<256x512xf32>
    %select_n3A_38 = arith.select %lt3A, %add3A_30, %add3A_27 : vector<256x512xi1>, vector<256x512xf32>
    %select_n3A_39 = arith.select %lt3A, %add3A_27, %add3A_30 : vector<256x512xi1>, vector<256x512xf32>
    %lt3A_40 = arith.cmpf olt, %slice3A_24, %slice3A_23 : vector<256x512xf32>
    %select_n3A_41 = arith.select %lt3A_40, %slice3A_24, %slice3A_23 : vector<256x512xi1>, vector<256x512xf32>
    %select_n3A_42 = arith.select %lt3A_40, %slice3A_23, %slice3A_24 : vector<256x512xi1>, vector<256x512xf32>
    %select_n3A_43 = arith.select %lt3A_40, %add3A_36, %add3A_33 : vector<256x512xi1>, vector<256x512xf32>
    %select_n3A_44 = arith.select %lt3A_40, %add3A_33, %add3A_36 : vector<256x512xi1>, vector<256x512xf32>
    %lt3A_45 = arith.cmpf olt, %select_n3A_41, %select_n3A_37 : vector<256x512xf32>
    %select_n3A_46 = arith.select %lt3A_45, %select_n3A_41, %select_n3A_37 : vector<256x512xi1>, vector<256x512xf32>
    %select_n3A_47 = arith.select %lt3A_45, %select_n3A_37, %select_n3A_41 : vector<256x512xi1>, vector<256x512xf32>
    %select_n3A_48 = arith.select %lt3A_45, %select_n3A_43, %select_n3A_39 : vector<256x512xi1>, vector<256x512xf32>
    %select_n3A_49 = arith.select %lt3A_45, %select_n3A_39, %select_n3A_43 : vector<256x512xi1>, vector<256x512xf32>
    %lt3A_50 = arith.cmpf olt, %select_n3A_46, %select_n3A : vector<256x512xf32>
    %select_n3A_51 = arith.select %lt3A_50, %select_n3A_46, %select_n3A : vector<256x512xi1>, vector<256x512xf32>
    %select_n3A_52 = arith.select %lt3A_50, %select_n3A, %select_n3A_46 : vector<256x512xi1>, vector<256x512xf32>
    %select_n3A_53 = arith.select %lt3A_50, %select_n3A_48, %select_n3A_38 : vector<256x512xi1>, vector<256x512xf32>
    %select_n3A_54 = arith.select %lt3A_50, %select_n3A_38, %select_n3A_48 : vector<256x512xi1>, vector<256x512xf32>
    %lt3A_55 = arith.cmpf olt, %select_n3A_42, %select_n3A_47 : vector<256x512xf32>
    %select_n3A_56 = arith.select %lt3A_55, %select_n3A_42, %select_n3A_47 : vector<256x512xi1>, vector<256x512xf32>
    %select_n3A_57 = arith.select %lt3A_55, %select_n3A_47, %select_n3A_42 : vector<256x512xi1>, vector<256x512xf32>
    %select_n3A_58 = arith.select %lt3A_55, %select_n3A_44, %select_n3A_49 : vector<256x512xi1>, vector<256x512xf32>
    %select_n3A_59 = arith.select %lt3A_55, %select_n3A_49, %select_n3A_44 : vector<256x512xi1>, vector<256x512xf32>
    %lt3A_60 = arith.cmpf olt, %select_n3A_56, %select_n3A_52 : vector<256x512xf32>
    %select_n3A_61 = arith.select %lt3A_60, %select_n3A_56, %select_n3A_52 : vector<256x512xi1>, vector<256x512xf32>
    %select_n3A_62 = arith.select %lt3A_60, %select_n3A_52, %select_n3A_56 : vector<256x512xi1>, vector<256x512xf32>
    %select_n3A_63 = arith.select %lt3A_60, %select_n3A_58, %select_n3A_54 : vector<256x512xi1>, vector<256x512xf32>
    %select_n3A_64 = arith.select %lt3A_60, %select_n3A_54, %select_n3A_58 : vector<256x512xi1>, vector<256x512xf32>
    %iota3A_65 = tpu.iota {dimensions = array<i32: 1>} : vector<256x16xi32>
    %broadcast_in_dim3A_66 = arith.constant 0.000000e+00 : f32
    %broadcast_in_dim3A_67 = vector.broadcast %broadcast_in_dim3A_66 : f32 to vector<256x16xf32>
    %reduce_min3A = arith.constant dense<0x7F800000> : vector<256xf32>
    %reduce_min3A_68 = vector.multi_reduction <minimumf>, %select_n3A_51, %reduce_min3A [1] : vector<256x512xf32> to vector<256xf32>
    %broadcast_in_dim3A_69 = vector.shape_cast %reduce_min3A_68 : vector<256xf32> to vector<256x1xf32>
    %eq3A = vector.broadcast %broadcast_in_dim3A_69 : vector<256x1xf32> to vector<256x512xf32>
    %eq3A_70 = arith.cmpf oeq, %select_n3A_51, %eq3A : vector<256x512xf32>
    %jit3A = arith.constant 2.048000e+03 : f32
    %broadcast_in_dim3A_71 = vector.broadcast %jit3A : f32 to vector<256x512xf32>
    %select_n3A_72 = arith.select %eq3A_70, %select_n3A_53, %broadcast_in_dim3A_71 : vector<256x512xi1>, vector<256x512xf32>
    %reduce_min3A_73 = arith.constant dense<0x7F800000> : vector<256xf32>
    %reduce_min3A_74 = vector.multi_reduction <minimumf>, %select_n3A_72, %reduce_min3A_73 [1] : vector<256x512xf32> to vector<256xf32>
    %broadcast_in_dim3A_75 = vector.shape_cast %reduce_min3A_74 : vector<256xf32> to vector<256x1xf32>
    %eq3A_76 = vector.broadcast %broadcast_in_dim3A_75 : vector<256x1xf32> to vector<256x512xf32>
    %eq3A_77 = arith.cmpf oeq, %select_n3A_53, %eq3A_76 : vector<256x512xf32>
    %select_n3A_78 = arith.select %eq3A_77, %select_n3A_61, %select_n3A_51 : vector<256x512xi1>, vector<256x512xf32>
    %select_n3A_79 = arith.select %eq3A_77, %select_n3A_62, %select_n3A_61 : vector<256x512xi1>, vector<256x512xf32>
    %select_n3A_80 = arith.select %eq3A_77, %select_n3A_57, %select_n3A_62 : vector<256x512xi1>, vector<256x512xf32>
    %jit3A_81 = arith.constant 0x7F800000 : f32
    %broadcast_in_dim3A_82 = vector.broadcast %jit3A_81 : f32 to vector<256x512xf32>
    %select_n3A_83 = arith.select %eq3A_77, %broadcast_in_dim3A_82, %select_n3A_57 : vector<256x512xi1>, vector<256x512xf32>
    %select_n3A_84 = arith.select %eq3A_77, %select_n3A_63, %select_n3A_53 : vector<256x512xi1>, vector<256x512xf32>
    %select_n3A_85 = arith.select %eq3A_77, %select_n3A_64, %select_n3A_63 : vector<256x512xi1>, vector<256x512xf32>
    %select_n3A_86 = arith.select %eq3A_77, %select_n3A_59, %select_n3A_64 : vector<256x512xi1>, vector<256x512xf32>
    %eq3A_87 = arith.constant 0 : i32
    %eq3A_88 = vector.broadcast %eq3A_87 : i32 to vector<256x16xi32>
    %eq3A_89 = arith.cmpi eq, %iota3A_65, %eq3A_88 : vector<256x16xi32>
    %broadcast_in_dim3A_90 = vector.shape_cast %broadcast_in_dim3A_75 : vector<256x1xf32> to vector<256x1xf32>
    %broadcast_in_dim3A_91 = vector.broadcast %broadcast_in_dim3A_90 : vector<256x1xf32> to vector<256x16xf32>
    %select_n3A_92 = arith.select %eq3A_89, %broadcast_in_dim3A_91, %broadcast_in_dim3A_67 : vector<256x16xi1>, vector<256x16xf32>
    %reduce_min3A_93 = arith.constant dense<0x7F800000> : vector<256xf32>
    %reduce_min3A_94 = vector.multi_reduction <minimumf>, %select_n3A_78, %reduce_min3A_93 [1] : vector<256x512xf32> to vector<256xf32>
    %broadcast_in_dim3A_95 = vector.shape_cast %reduce_min3A_94 : vector<256xf32> to vector<256x1xf32>
    %eq3A_96 = vector.broadcast %broadcast_in_dim3A_95 : vector<256x1xf32> to vector<256x512xf32>
    %eq3A_97 = arith.cmpf oeq, %select_n3A_78, %eq3A_96 : vector<256x512xf32>
    %jit3A_98 = arith.constant 2.048000e+03 : f32
    %broadcast_in_dim3A_99 = vector.broadcast %jit3A_98 : f32 to vector<256x512xf32>
    %select_n3A_100 = arith.select %eq3A_97, %select_n3A_84, %broadcast_in_dim3A_99 : vector<256x512xi1>, vector<256x512xf32>
    %reduce_min3A_101 = arith.constant dense<0x7F800000> : vector<256xf32>
    %reduce_min3A_102 = vector.multi_reduction <minimumf>, %select_n3A_100, %reduce_min3A_101 [1] : vector<256x512xf32> to vector<256xf32>
    %broadcast_in_dim3A_103 = vector.shape_cast %reduce_min3A_102 : vector<256xf32> to vector<256x1xf32>
    %eq3A_104 = vector.broadcast %broadcast_in_dim3A_103 : vector<256x1xf32> to vector<256x512xf32>
    %eq3A_105 = arith.cmpf oeq, %select_n3A_84, %eq3A_104 : vector<256x512xf32>
    %select_n3A_106 = arith.select %eq3A_105, %select_n3A_79, %select_n3A_78 : vector<256x512xi1>, vector<256x512xf32>
    %select_n3A_107 = arith.select %eq3A_105, %select_n3A_80, %select_n3A_79 : vector<256x512xi1>, vector<256x512xf32>
    %select_n3A_108 = arith.select %eq3A_105, %select_n3A_83, %select_n3A_80 : vector<256x512xi1>, vector<256x512xf32>
    %jit3A_109 = arith.constant 0x7F800000 : f32
    %broadcast_in_dim3A_110 = vector.broadcast %jit3A_109 : f32 to vector<256x512xf32>
    %select_n3A_111 = arith.select %eq3A_105, %broadcast_in_dim3A_110, %select_n3A_83 : vector<256x512xi1>, vector<256x512xf32>
    %select_n3A_112 = arith.select %eq3A_105, %select_n3A_85, %select_n3A_84 : vector<256x512xi1>, vector<256x512xf32>
    %select_n3A_113 = arith.select %eq3A_105, %select_n3A_86, %select_n3A_85 : vector<256x512xi1>, vector<256x512xf32>
    %select_n3A_114 = arith.select %eq3A_105, %select_n3A_59, %select_n3A_86 : vector<256x512xi1>, vector<256x512xf32>
    %eq3A_115 = arith.constant 1 : i32
    %eq3A_116 = vector.broadcast %eq3A_115 : i32 to vector<256x16xi32>
    %eq3A_117 = arith.cmpi eq, %iota3A_65, %eq3A_116 : vector<256x16xi32>
    %broadcast_in_dim3A_118 = vector.shape_cast %broadcast_in_dim3A_103 : vector<256x1xf32> to vector<256x1xf32>
    %broadcast_in_dim3A_119 = vector.broadcast %broadcast_in_dim3A_118 : vector<256x1xf32> to vector<256x16xf32>
    %select_n3A_120 = arith.select %eq3A_117, %broadcast_in_dim3A_119, %select_n3A_92 : vector<256x16xi1>, vector<256x16xf32>
    %reduce_min3A_121 = arith.constant dense<0x7F800000> : vector<256xf32>
    %reduce_min3A_122 = vector.multi_reduction <minimumf>, %select_n3A_106, %reduce_min3A_121 [1] : vector<256x512xf32> to vector<256xf32>
    %broadcast_in_dim3A_123 = vector.shape_cast %reduce_min3A_122 : vector<256xf32> to vector<256x1xf32>
    %eq3A_124 = vector.broadcast %broadcast_in_dim3A_123 : vector<256x1xf32> to vector<256x512xf32>
    %eq3A_125 = arith.cmpf oeq, %select_n3A_106, %eq3A_124 : vector<256x512xf32>
    %jit3A_126 = arith.constant 2.048000e+03 : f32
    %broadcast_in_dim3A_127 = vector.broadcast %jit3A_126 : f32 to vector<256x512xf32>
    %select_n3A_128 = arith.select %eq3A_125, %select_n3A_112, %broadcast_in_dim3A_127 : vector<256x512xi1>, vector<256x512xf32>
    %reduce_min3A_129 = arith.constant dense<0x7F800000> : vector<256xf32>
    %reduce_min3A_130 = vector.multi_reduction <minimumf>, %select_n3A_128, %reduce_min3A_129 [1] : vector<256x512xf32> to vector<256xf32>
    %broadcast_in_dim3A_131 = vector.shape_cast %reduce_min3A_130 : vector<256xf32> to vector<256x1xf32>
    %eq3A_132 = vector.broadcast %broadcast_in_dim3A_131 : vector<256x1xf32> to vector<256x512xf32>
    %eq3A_133 = arith.cmpf oeq, %select_n3A_112, %eq3A_132 : vector<256x512xf32>
    %select_n3A_134 = arith.select %eq3A_133, %select_n3A_107, %select_n3A_106 : vector<256x512xi1>, vector<256x512xf32>
    %select_n3A_135 = arith.select %eq3A_133, %select_n3A_108, %select_n3A_107 : vector<256x512xi1>, vector<256x512xf32>
    %select_n3A_136 = arith.select %eq3A_133, %select_n3A_111, %select_n3A_108 : vector<256x512xi1>, vector<256x512xf32>
    %jit3A_137 = arith.constant 0x7F800000 : f32
    %broadcast_in_dim3A_138 = vector.broadcast %jit3A_137 : f32 to vector<256x512xf32>
    %select_n3A_139 = arith.select %eq3A_133, %broadcast_in_dim3A_138, %select_n3A_111 : vector<256x512xi1>, vector<256x512xf32>
    %select_n3A_140 = arith.select %eq3A_133, %select_n3A_113, %select_n3A_112 : vector<256x512xi1>, vector<256x512xf32>
    %select_n3A_141 = arith.select %eq3A_133, %select_n3A_114, %select_n3A_113 : vector<256x512xi1>, vector<256x512xf32>
    %select_n3A_142 = arith.select %eq3A_133, %select_n3A_59, %select_n3A_114 : vector<256x512xi1>, vector<256x512xf32>
    %eq3A_143 = arith.constant 2 : i32
    %eq3A_144 = vector.broadcast %eq3A_143 : i32 to vector<256x16xi32>
    %eq3A_145 = arith.cmpi eq, %iota3A_65, %eq3A_144 : vector<256x16xi32>
    %broadcast_in_dim3A_146 = vector.shape_cast %broadcast_in_dim3A_131 : vector<256x1xf32> to vector<256x1xf32>
    %broadcast_in_dim3A_147 = vector.broadcast %broadcast_in_dim3A_146 : vector<256x1xf32> to vector<256x16xf32>
    %select_n3A_148 = arith.select %eq3A_145, %broadcast_in_dim3A_147, %select_n3A_120 : vector<256x16xi1>, vector<256x16xf32>
    %reduce_min3A_149 = arith.constant dense<0x7F800000> : vector<256xf32>
    %reduce_min3A_150 = vector.multi_reduction <minimumf>, %select_n3A_134, %reduce_min3A_149 [1] : vector<256x512xf32> to vector<256xf32>
    %broadcast_in_dim3A_151 = vector.shape_cast %reduce_min3A_150 : vector<256xf32> to vector<256x1xf32>
    %eq3A_152 = vector.broadcast %broadcast_in_dim3A_151 : vector<256x1xf32> to vector<256x512xf32>
    %eq3A_153 = arith.cmpf oeq, %select_n3A_134, %eq3A_152 : vector<256x512xf32>
    %jit3A_154 = arith.constant 2.048000e+03 : f32
    %broadcast_in_dim3A_155 = vector.broadcast %jit3A_154 : f32 to vector<256x512xf32>
    %select_n3A_156 = arith.select %eq3A_153, %select_n3A_140, %broadcast_in_dim3A_155 : vector<256x512xi1>, vector<256x512xf32>
    %reduce_min3A_157 = arith.constant dense<0x7F800000> : vector<256xf32>
    %reduce_min3A_158 = vector.multi_reduction <minimumf>, %select_n3A_156, %reduce_min3A_157 [1] : vector<256x512xf32> to vector<256xf32>
    %broadcast_in_dim3A_159 = vector.shape_cast %reduce_min3A_158 : vector<256xf32> to vector<256x1xf32>
    %eq3A_160 = vector.broadcast %broadcast_in_dim3A_159 : vector<256x1xf32> to vector<256x512xf32>
    %eq3A_161 = arith.cmpf oeq, %select_n3A_140, %eq3A_160 : vector<256x512xf32>
    %select_n3A_162 = arith.select %eq3A_161, %select_n3A_135, %select_n3A_134 : vector<256x512xi1>, vector<256x512xf32>
    %select_n3A_163 = arith.select %eq3A_161, %select_n3A_136, %select_n3A_135 : vector<256x512xi1>, vector<256x512xf32>
    %select_n3A_164 = arith.select %eq3A_161, %select_n3A_139, %select_n3A_136 : vector<256x512xi1>, vector<256x512xf32>
    %jit3A_165 = arith.constant 0x7F800000 : f32
    %broadcast_in_dim3A_166 = vector.broadcast %jit3A_165 : f32 to vector<256x512xf32>
    %select_n3A_167 = arith.select %eq3A_161, %broadcast_in_dim3A_166, %select_n3A_139 : vector<256x512xi1>, vector<256x512xf32>
    %select_n3A_168 = arith.select %eq3A_161, %select_n3A_141, %select_n3A_140 : vector<256x512xi1>, vector<256x512xf32>
    %select_n3A_169 = arith.select %eq3A_161, %select_n3A_142, %select_n3A_141 : vector<256x512xi1>, vector<256x512xf32>
    %select_n3A_170 = arith.select %eq3A_161, %select_n3A_59, %select_n3A_142 : vector<256x512xi1>, vector<256x512xf32>
    %eq3A_171 = arith.constant 3 : i32
    %eq3A_172 = vector.broadcast %eq3A_171 : i32 to vector<256x16xi32>
    %eq3A_173 = arith.cmpi eq, %iota3A_65, %eq3A_172 : vector<256x16xi32>
    %broadcast_in_dim3A_174 = vector.shape_cast %broadcast_in_dim3A_159 : vector<256x1xf32> to vector<256x1xf32>
    %broadcast_in_dim3A_175 = vector.broadcast %broadcast_in_dim3A_174 : vector<256x1xf32> to vector<256x16xf32>
    %select_n3A_176 = arith.select %eq3A_173, %broadcast_in_dim3A_175, %select_n3A_148 : vector<256x16xi1>, vector<256x16xf32>
    %reduce_min3A_177 = arith.constant dense<0x7F800000> : vector<256xf32>
    %reduce_min3A_178 = vector.multi_reduction <minimumf>, %select_n3A_162, %reduce_min3A_177 [1] : vector<256x512xf32> to vector<256xf32>
    %broadcast_in_dim3A_179 = vector.shape_cast %reduce_min3A_178 : vector<256xf32> to vector<256x1xf32>
    %eq3A_180 = vector.broadcast %broadcast_in_dim3A_179 : vector<256x1xf32> to vector<256x512xf32>
    %eq3A_181 = arith.cmpf oeq, %select_n3A_162, %eq3A_180 : vector<256x512xf32>
    %jit3A_182 = arith.constant 2.048000e+03 : f32
    %broadcast_in_dim3A_183 = vector.broadcast %jit3A_182 : f32 to vector<256x512xf32>
    %select_n3A_184 = arith.select %eq3A_181, %select_n3A_168, %broadcast_in_dim3A_183 : vector<256x512xi1>, vector<256x512xf32>
    %reduce_min3A_185 = arith.constant dense<0x7F800000> : vector<256xf32>
    %reduce_min3A_186 = vector.multi_reduction <minimumf>, %select_n3A_184, %reduce_min3A_185 [1] : vector<256x512xf32> to vector<256xf32>
    %broadcast_in_dim3A_187 = vector.shape_cast %reduce_min3A_186 : vector<256xf32> to vector<256x1xf32>
    %eq3A_188 = vector.broadcast %broadcast_in_dim3A_187 : vector<256x1xf32> to vector<256x512xf32>
    %eq3A_189 = arith.cmpf oeq, %select_n3A_168, %eq3A_188 : vector<256x512xf32>
    %select_n3A_190 = arith.select %eq3A_189, %select_n3A_163, %select_n3A_162 : vector<256x512xi1>, vector<256x512xf32>
    %select_n3A_191 = arith.select %eq3A_189, %select_n3A_164, %select_n3A_163 : vector<256x512xi1>, vector<256x512xf32>
    %select_n3A_192 = arith.select %eq3A_189, %select_n3A_167, %select_n3A_164 : vector<256x512xi1>, vector<256x512xf32>
    %jit3A_193 = arith.constant 0x7F800000 : f32
    %broadcast_in_dim3A_194 = vector.broadcast %jit3A_193 : f32 to vector<256x512xf32>
    %select_n3A_195 = arith.select %eq3A_189, %broadcast_in_dim3A_194, %select_n3A_167 : vector<256x512xi1>, vector<256x512xf32>
    %select_n3A_196 = arith.select %eq3A_189, %select_n3A_169, %select_n3A_168 : vector<256x512xi1>, vector<256x512xf32>
    %select_n3A_197 = arith.select %eq3A_189, %select_n3A_170, %select_n3A_169 : vector<256x512xi1>, vector<256x512xf32>
    %select_n3A_198 = arith.select %eq3A_189, %select_n3A_59, %select_n3A_170 : vector<256x512xi1>, vector<256x512xf32>
    %eq3A_199 = arith.constant 4 : i32
    %eq3A_200 = vector.broadcast %eq3A_199 : i32 to vector<256x16xi32>
    %eq3A_201 = arith.cmpi eq, %iota3A_65, %eq3A_200 : vector<256x16xi32>
    %broadcast_in_dim3A_202 = vector.shape_cast %broadcast_in_dim3A_187 : vector<256x1xf32> to vector<256x1xf32>
    %broadcast_in_dim3A_203 = vector.broadcast %broadcast_in_dim3A_202 : vector<256x1xf32> to vector<256x16xf32>
    %select_n3A_204 = arith.select %eq3A_201, %broadcast_in_dim3A_203, %select_n3A_176 : vector<256x16xi1>, vector<256x16xf32>
    %reduce_min3A_205 = arith.constant dense<0x7F800000> : vector<256xf32>
    %reduce_min3A_206 = vector.multi_reduction <minimumf>, %select_n3A_190, %reduce_min3A_205 [1] : vector<256x512xf32> to vector<256xf32>
    %broadcast_in_dim3A_207 = vector.shape_cast %reduce_min3A_206 : vector<256xf32> to vector<256x1xf32>
    %eq3A_208 = vector.broadcast %broadcast_in_dim3A_207 : vector<256x1xf32> to vector<256x512xf32>
    %eq3A_209 = arith.cmpf oeq, %select_n3A_190, %eq3A_208 : vector<256x512xf32>
    %jit3A_210 = arith.constant 2.048000e+03 : f32
    %broadcast_in_dim3A_211 = vector.broadcast %jit3A_210 : f32 to vector<256x512xf32>
    %select_n3A_212 = arith.select %eq3A_209, %select_n3A_196, %broadcast_in_dim3A_211 : vector<256x512xi1>, vector<256x512xf32>
    %reduce_min3A_213 = arith.constant dense<0x7F800000> : vector<256xf32>
    %reduce_min3A_214 = vector.multi_reduction <minimumf>, %select_n3A_212, %reduce_min3A_213 [1] : vector<256x512xf32> to vector<256xf32>
    %broadcast_in_dim3A_215 = vector.shape_cast %reduce_min3A_214 : vector<256xf32> to vector<256x1xf32>
    %eq3A_216 = vector.broadcast %broadcast_in_dim3A_215 : vector<256x1xf32> to vector<256x512xf32>
    %eq3A_217 = arith.cmpf oeq, %select_n3A_196, %eq3A_216 : vector<256x512xf32>
    %select_n3A_218 = arith.select %eq3A_217, %select_n3A_191, %select_n3A_190 : vector<256x512xi1>, vector<256x512xf32>
    %select_n3A_219 = arith.select %eq3A_217, %select_n3A_192, %select_n3A_191 : vector<256x512xi1>, vector<256x512xf32>
    %select_n3A_220 = arith.select %eq3A_217, %select_n3A_195, %select_n3A_192 : vector<256x512xi1>, vector<256x512xf32>
    %jit3A_221 = arith.constant 0x7F800000 : f32
    %broadcast_in_dim3A_222 = vector.broadcast %jit3A_221 : f32 to vector<256x512xf32>
    %select_n3A_223 = arith.select %eq3A_217, %broadcast_in_dim3A_222, %select_n3A_195 : vector<256x512xi1>, vector<256x512xf32>
    %select_n3A_224 = arith.select %eq3A_217, %select_n3A_197, %select_n3A_196 : vector<256x512xi1>, vector<256x512xf32>
    %select_n3A_225 = arith.select %eq3A_217, %select_n3A_198, %select_n3A_197 : vector<256x512xi1>, vector<256x512xf32>
    %select_n3A_226 = arith.select %eq3A_217, %select_n3A_59, %select_n3A_198 : vector<256x512xi1>, vector<256x512xf32>
    %eq3A_227 = arith.constant 5 : i32
    %eq3A_228 = vector.broadcast %eq3A_227 : i32 to vector<256x16xi32>
    %eq3A_229 = arith.cmpi eq, %iota3A_65, %eq3A_228 : vector<256x16xi32>
    %broadcast_in_dim3A_230 = vector.shape_cast %broadcast_in_dim3A_215 : vector<256x1xf32> to vector<256x1xf32>
    %broadcast_in_dim3A_231 = vector.broadcast %broadcast_in_dim3A_230 : vector<256x1xf32> to vector<256x16xf32>
    %select_n3A_232 = arith.select %eq3A_229, %broadcast_in_dim3A_231, %select_n3A_204 : vector<256x16xi1>, vector<256x16xf32>
    %reduce_min3A_233 = arith.constant dense<0x7F800000> : vector<256xf32>
    %reduce_min3A_234 = vector.multi_reduction <minimumf>, %select_n3A_218, %reduce_min3A_233 [1] : vector<256x512xf32> to vector<256xf32>
    %broadcast_in_dim3A_235 = vector.shape_cast %reduce_min3A_234 : vector<256xf32> to vector<256x1xf32>
    %eq3A_236 = vector.broadcast %broadcast_in_dim3A_235 : vector<256x1xf32> to vector<256x512xf32>
    %eq3A_237 = arith.cmpf oeq, %select_n3A_218, %eq3A_236 : vector<256x512xf32>
    %jit3A_238 = arith.constant 2.048000e+03 : f32
    %broadcast_in_dim3A_239 = vector.broadcast %jit3A_238 : f32 to vector<256x512xf32>
    %select_n3A_240 = arith.select %eq3A_237, %select_n3A_224, %broadcast_in_dim3A_239 : vector<256x512xi1>, vector<256x512xf32>
    %reduce_min3A_241 = arith.constant dense<0x7F800000> : vector<256xf32>
    %reduce_min3A_242 = vector.multi_reduction <minimumf>, %select_n3A_240, %reduce_min3A_241 [1] : vector<256x512xf32> to vector<256xf32>
    %broadcast_in_dim3A_243 = vector.shape_cast %reduce_min3A_242 : vector<256xf32> to vector<256x1xf32>
    %eq3A_244 = vector.broadcast %broadcast_in_dim3A_243 : vector<256x1xf32> to vector<256x512xf32>
    %eq3A_245 = arith.cmpf oeq, %select_n3A_224, %eq3A_244 : vector<256x512xf32>
    %select_n3A_246 = arith.select %eq3A_245, %select_n3A_219, %select_n3A_218 : vector<256x512xi1>, vector<256x512xf32>
    %select_n3A_247 = arith.select %eq3A_245, %select_n3A_220, %select_n3A_219 : vector<256x512xi1>, vector<256x512xf32>
    %select_n3A_248 = arith.select %eq3A_245, %select_n3A_223, %select_n3A_220 : vector<256x512xi1>, vector<256x512xf32>
    %jit3A_249 = arith.constant 0x7F800000 : f32
    %broadcast_in_dim3A_250 = vector.broadcast %jit3A_249 : f32 to vector<256x512xf32>
    %select_n3A_251 = arith.select %eq3A_245, %broadcast_in_dim3A_250, %select_n3A_223 : vector<256x512xi1>, vector<256x512xf32>
    %select_n3A_252 = arith.select %eq3A_245, %select_n3A_225, %select_n3A_224 : vector<256x512xi1>, vector<256x512xf32>
    %select_n3A_253 = arith.select %eq3A_245, %select_n3A_226, %select_n3A_225 : vector<256x512xi1>, vector<256x512xf32>
    %select_n3A_254 = arith.select %eq3A_245, %select_n3A_59, %select_n3A_226 : vector<256x512xi1>, vector<256x512xf32>
    %eq3A_255 = arith.constant 6 : i32
    %eq3A_256 = vector.broadcast %eq3A_255 : i32 to vector<256x16xi32>
    %eq3A_257 = arith.cmpi eq, %iota3A_65, %eq3A_256 : vector<256x16xi32>
    %broadcast_in_dim3A_258 = vector.shape_cast %broadcast_in_dim3A_243 : vector<256x1xf32> to vector<256x1xf32>
    %broadcast_in_dim3A_259 = vector.broadcast %broadcast_in_dim3A_258 : vector<256x1xf32> to vector<256x16xf32>
    %select_n3A_260 = arith.select %eq3A_257, %broadcast_in_dim3A_259, %select_n3A_232 : vector<256x16xi1>, vector<256x16xf32>
    %reduce_min3A_261 = arith.constant dense<0x7F800000> : vector<256xf32>
    %reduce_min3A_262 = vector.multi_reduction <minimumf>, %select_n3A_246, %reduce_min3A_261 [1] : vector<256x512xf32> to vector<256xf32>
    %broadcast_in_dim3A_263 = vector.shape_cast %reduce_min3A_262 : vector<256xf32> to vector<256x1xf32>
    %eq3A_264 = vector.broadcast %broadcast_in_dim3A_263 : vector<256x1xf32> to vector<256x512xf32>
    %eq3A_265 = arith.cmpf oeq, %select_n3A_246, %eq3A_264 : vector<256x512xf32>
    %jit3A_266 = arith.constant 2.048000e+03 : f32
    %broadcast_in_dim3A_267 = vector.broadcast %jit3A_266 : f32 to vector<256x512xf32>
    %select_n3A_268 = arith.select %eq3A_265, %select_n3A_252, %broadcast_in_dim3A_267 : vector<256x512xi1>, vector<256x512xf32>
    %reduce_min3A_269 = arith.constant dense<0x7F800000> : vector<256xf32>
    %reduce_min3A_270 = vector.multi_reduction <minimumf>, %select_n3A_268, %reduce_min3A_269 [1] : vector<256x512xf32> to vector<256xf32>
    %broadcast_in_dim3A_271 = vector.shape_cast %reduce_min3A_270 : vector<256xf32> to vector<256x1xf32>
    %eq3A_272 = vector.broadcast %broadcast_in_dim3A_271 : vector<256x1xf32> to vector<256x512xf32>
    %eq3A_273 = arith.cmpf oeq, %select_n3A_252, %eq3A_272 : vector<256x512xf32>
    %select_n3A_274 = arith.select %eq3A_273, %select_n3A_247, %select_n3A_246 : vector<256x512xi1>, vector<256x512xf32>
    %select_n3A_275 = arith.select %eq3A_273, %select_n3A_248, %select_n3A_247 : vector<256x512xi1>, vector<256x512xf32>
    %select_n3A_276 = arith.select %eq3A_273, %select_n3A_251, %select_n3A_248 : vector<256x512xi1>, vector<256x512xf32>
    %jit3A_277 = arith.constant 0x7F800000 : f32
    %broadcast_in_dim3A_278 = vector.broadcast %jit3A_277 : f32 to vector<256x512xf32>
    %select_n3A_279 = arith.select %eq3A_273, %broadcast_in_dim3A_278, %select_n3A_251 : vector<256x512xi1>, vector<256x512xf32>
    %select_n3A_280 = arith.select %eq3A_273, %select_n3A_253, %select_n3A_252 : vector<256x512xi1>, vector<256x512xf32>
    %select_n3A_281 = arith.select %eq3A_273, %select_n3A_254, %select_n3A_253 : vector<256x512xi1>, vector<256x512xf32>
    %select_n3A_282 = arith.select %eq3A_273, %select_n3A_59, %select_n3A_254 : vector<256x512xi1>, vector<256x512xf32>
    %eq3A_283 = arith.constant 7 : i32
    %eq3A_284 = vector.broadcast %eq3A_283 : i32 to vector<256x16xi32>
    %eq3A_285 = arith.cmpi eq, %iota3A_65, %eq3A_284 : vector<256x16xi32>
    %broadcast_in_dim3A_286 = vector.shape_cast %broadcast_in_dim3A_271 : vector<256x1xf32> to vector<256x1xf32>
    %broadcast_in_dim3A_287 = vector.broadcast %broadcast_in_dim3A_286 : vector<256x1xf32> to vector<256x16xf32>
    %select_n3A_288 = arith.select %eq3A_285, %broadcast_in_dim3A_287, %select_n3A_260 : vector<256x16xi1>, vector<256x16xf32>
    %reduce_min3A_289 = arith.constant dense<0x7F800000> : vector<256xf32>
    %reduce_min3A_290 = vector.multi_reduction <minimumf>, %select_n3A_274, %reduce_min3A_289 [1] : vector<256x512xf32> to vector<256xf32>
    %broadcast_in_dim3A_291 = vector.shape_cast %reduce_min3A_290 : vector<256xf32> to vector<256x1xf32>
    %eq3A_292 = vector.broadcast %broadcast_in_dim3A_291 : vector<256x1xf32> to vector<256x512xf32>
    %eq3A_293 = arith.cmpf oeq, %select_n3A_274, %eq3A_292 : vector<256x512xf32>
    %jit3A_294 = arith.constant 2.048000e+03 : f32
    %broadcast_in_dim3A_295 = vector.broadcast %jit3A_294 : f32 to vector<256x512xf32>
    %select_n3A_296 = arith.select %eq3A_293, %select_n3A_280, %broadcast_in_dim3A_295 : vector<256x512xi1>, vector<256x512xf32>
    %reduce_min3A_297 = arith.constant dense<0x7F800000> : vector<256xf32>
    %reduce_min3A_298 = vector.multi_reduction <minimumf>, %select_n3A_296, %reduce_min3A_297 [1] : vector<256x512xf32> to vector<256xf32>
    %broadcast_in_dim3A_299 = vector.shape_cast %reduce_min3A_298 : vector<256xf32> to vector<256x1xf32>
    %eq3A_300 = vector.broadcast %broadcast_in_dim3A_299 : vector<256x1xf32> to vector<256x512xf32>
    %eq3A_301 = arith.cmpf oeq, %select_n3A_280, %eq3A_300 : vector<256x512xf32>
    %select_n3A_302 = arith.select %eq3A_301, %select_n3A_275, %select_n3A_274 : vector<256x512xi1>, vector<256x512xf32>
    %select_n3A_303 = arith.select %eq3A_301, %select_n3A_276, %select_n3A_275 : vector<256x512xi1>, vector<256x512xf32>
    %select_n3A_304 = arith.select %eq3A_301, %select_n3A_279, %select_n3A_276 : vector<256x512xi1>, vector<256x512xf32>
    %jit3A_305 = arith.constant 0x7F800000 : f32
    %broadcast_in_dim3A_306 = vector.broadcast %jit3A_305 : f32 to vector<256x512xf32>
    %select_n3A_307 = arith.select %eq3A_301, %broadcast_in_dim3A_306, %select_n3A_279 : vector<256x512xi1>, vector<256x512xf32>
    %select_n3A_308 = arith.select %eq3A_301, %select_n3A_281, %select_n3A_280 : vector<256x512xi1>, vector<256x512xf32>
    %select_n3A_309 = arith.select %eq3A_301, %select_n3A_282, %select_n3A_281 : vector<256x512xi1>, vector<256x512xf32>
    %select_n3A_310 = arith.select %eq3A_301, %select_n3A_59, %select_n3A_282 : vector<256x512xi1>, vector<256x512xf32>
    %eq3A_311 = arith.constant 8 : i32
    %eq3A_312 = vector.broadcast %eq3A_311 : i32 to vector<256x16xi32>
    %eq3A_313 = arith.cmpi eq, %iota3A_65, %eq3A_312 : vector<256x16xi32>
    %broadcast_in_dim3A_314 = vector.shape_cast %broadcast_in_dim3A_299 : vector<256x1xf32> to vector<256x1xf32>
    %broadcast_in_dim3A_315 = vector.broadcast %broadcast_in_dim3A_314 : vector<256x1xf32> to vector<256x16xf32>
    %select_n3A_316 = arith.select %eq3A_313, %broadcast_in_dim3A_315, %select_n3A_288 : vector<256x16xi1>, vector<256x16xf32>
    %reduce_min3A_317 = arith.constant dense<0x7F800000> : vector<256xf32>
    %reduce_min3A_318 = vector.multi_reduction <minimumf>, %select_n3A_302, %reduce_min3A_317 [1] : vector<256x512xf32> to vector<256xf32>
    %broadcast_in_dim3A_319 = vector.shape_cast %reduce_min3A_318 : vector<256xf32> to vector<256x1xf32>
    %eq3A_320 = vector.broadcast %broadcast_in_dim3A_319 : vector<256x1xf32> to vector<256x512xf32>
    %eq3A_321 = arith.cmpf oeq, %select_n3A_302, %eq3A_320 : vector<256x512xf32>
    %jit3A_322 = arith.constant 2.048000e+03 : f32
    %broadcast_in_dim3A_323 = vector.broadcast %jit3A_322 : f32 to vector<256x512xf32>
    %select_n3A_324 = arith.select %eq3A_321, %select_n3A_308, %broadcast_in_dim3A_323 : vector<256x512xi1>, vector<256x512xf32>
    %reduce_min3A_325 = arith.constant dense<0x7F800000> : vector<256xf32>
    %reduce_min3A_326 = vector.multi_reduction <minimumf>, %select_n3A_324, %reduce_min3A_325 [1] : vector<256x512xf32> to vector<256xf32>
    %broadcast_in_dim3A_327 = vector.shape_cast %reduce_min3A_326 : vector<256xf32> to vector<256x1xf32>
    %eq3A_328 = vector.broadcast %broadcast_in_dim3A_327 : vector<256x1xf32> to vector<256x512xf32>
    %eq3A_329 = arith.cmpf oeq, %select_n3A_308, %eq3A_328 : vector<256x512xf32>
    %select_n3A_330 = arith.select %eq3A_329, %select_n3A_303, %select_n3A_302 : vector<256x512xi1>, vector<256x512xf32>
    %select_n3A_331 = arith.select %eq3A_329, %select_n3A_304, %select_n3A_303 : vector<256x512xi1>, vector<256x512xf32>
    %select_n3A_332 = arith.select %eq3A_329, %select_n3A_307, %select_n3A_304 : vector<256x512xi1>, vector<256x512xf32>
    %jit3A_333 = arith.constant 0x7F800000 : f32
    %broadcast_in_dim3A_334 = vector.broadcast %jit3A_333 : f32 to vector<256x512xf32>
    %select_n3A_335 = arith.select %eq3A_329, %broadcast_in_dim3A_334, %select_n3A_307 : vector<256x512xi1>, vector<256x512xf32>
    %select_n3A_336 = arith.select %eq3A_329, %select_n3A_309, %select_n3A_308 : vector<256x512xi1>, vector<256x512xf32>
    %select_n3A_337 = arith.select %eq3A_329, %select_n3A_310, %select_n3A_309 : vector<256x512xi1>, vector<256x512xf32>
    %select_n3A_338 = arith.select %eq3A_329, %select_n3A_59, %select_n3A_310 : vector<256x512xi1>, vector<256x512xf32>
    %eq3A_339 = arith.constant 9 : i32
    %eq3A_340 = vector.broadcast %eq3A_339 : i32 to vector<256x16xi32>
    %eq3A_341 = arith.cmpi eq, %iota3A_65, %eq3A_340 : vector<256x16xi32>
    %broadcast_in_dim3A_342 = vector.shape_cast %broadcast_in_dim3A_327 : vector<256x1xf32> to vector<256x1xf32>
    %broadcast_in_dim3A_343 = vector.broadcast %broadcast_in_dim3A_342 : vector<256x1xf32> to vector<256x16xf32>
    %select_n3A_344 = arith.select %eq3A_341, %broadcast_in_dim3A_343, %select_n3A_316 : vector<256x16xi1>, vector<256x16xf32>
    %reduce_min3A_345 = arith.constant dense<0x7F800000> : vector<256xf32>
    %reduce_min3A_346 = vector.multi_reduction <minimumf>, %select_n3A_330, %reduce_min3A_345 [1] : vector<256x512xf32> to vector<256xf32>
    %broadcast_in_dim3A_347 = vector.shape_cast %reduce_min3A_346 : vector<256xf32> to vector<256x1xf32>
    %eq3A_348 = vector.broadcast %broadcast_in_dim3A_347 : vector<256x1xf32> to vector<256x512xf32>
    %eq3A_349 = arith.cmpf oeq, %select_n3A_330, %eq3A_348 : vector<256x512xf32>
    %jit3A_350 = arith.constant 2.048000e+03 : f32
    %broadcast_in_dim3A_351 = vector.broadcast %jit3A_350 : f32 to vector<256x512xf32>
    %select_n3A_352 = arith.select %eq3A_349, %select_n3A_336, %broadcast_in_dim3A_351 : vector<256x512xi1>, vector<256x512xf32>
    %reduce_min3A_353 = arith.constant dense<0x7F800000> : vector<256xf32>
    %reduce_min3A_354 = vector.multi_reduction <minimumf>, %select_n3A_352, %reduce_min3A_353 [1] : vector<256x512xf32> to vector<256xf32>
    %broadcast_in_dim3A_355 = vector.shape_cast %reduce_min3A_354 : vector<256xf32> to vector<256x1xf32>
    %eq3A_356 = vector.broadcast %broadcast_in_dim3A_355 : vector<256x1xf32> to vector<256x512xf32>
    %eq3A_357 = arith.cmpf oeq, %select_n3A_336, %eq3A_356 : vector<256x512xf32>
    %select_n3A_358 = arith.select %eq3A_357, %select_n3A_331, %select_n3A_330 : vector<256x512xi1>, vector<256x512xf32>
    %select_n3A_359 = arith.select %eq3A_357, %select_n3A_332, %select_n3A_331 : vector<256x512xi1>, vector<256x512xf32>
    %select_n3A_360 = arith.select %eq3A_357, %select_n3A_335, %select_n3A_332 : vector<256x512xi1>, vector<256x512xf32>
    %jit3A_361 = arith.constant 0x7F800000 : f32
    %broadcast_in_dim3A_362 = vector.broadcast %jit3A_361 : f32 to vector<256x512xf32>
    %select_n3A_363 = arith.select %eq3A_357, %broadcast_in_dim3A_362, %select_n3A_335 : vector<256x512xi1>, vector<256x512xf32>
    %select_n3A_364 = arith.select %eq3A_357, %select_n3A_337, %select_n3A_336 : vector<256x512xi1>, vector<256x512xf32>
    %select_n3A_365 = arith.select %eq3A_357, %select_n3A_338, %select_n3A_337 : vector<256x512xi1>, vector<256x512xf32>
    %select_n3A_366 = arith.select %eq3A_357, %select_n3A_59, %select_n3A_338 : vector<256x512xi1>, vector<256x512xf32>
    %eq3A_367 = arith.constant 10 : i32
    %eq3A_368 = vector.broadcast %eq3A_367 : i32 to vector<256x16xi32>
    %eq3A_369 = arith.cmpi eq, %iota3A_65, %eq3A_368 : vector<256x16xi32>
    %broadcast_in_dim3A_370 = vector.shape_cast %broadcast_in_dim3A_355 : vector<256x1xf32> to vector<256x1xf32>
    %broadcast_in_dim3A_371 = vector.broadcast %broadcast_in_dim3A_370 : vector<256x1xf32> to vector<256x16xf32>
    %select_n3A_372 = arith.select %eq3A_369, %broadcast_in_dim3A_371, %select_n3A_344 : vector<256x16xi1>, vector<256x16xf32>
    %reduce_min3A_373 = arith.constant dense<0x7F800000> : vector<256xf32>
    %reduce_min3A_374 = vector.multi_reduction <minimumf>, %select_n3A_358, %reduce_min3A_373 [1] : vector<256x512xf32> to vector<256xf32>
    %broadcast_in_dim3A_375 = vector.shape_cast %reduce_min3A_374 : vector<256xf32> to vector<256x1xf32>
    %eq3A_376 = vector.broadcast %broadcast_in_dim3A_375 : vector<256x1xf32> to vector<256x512xf32>
    %eq3A_377 = arith.cmpf oeq, %select_n3A_358, %eq3A_376 : vector<256x512xf32>
    %jit3A_378 = arith.constant 2.048000e+03 : f32
    %broadcast_in_dim3A_379 = vector.broadcast %jit3A_378 : f32 to vector<256x512xf32>
    %select_n3A_380 = arith.select %eq3A_377, %select_n3A_364, %broadcast_in_dim3A_379 : vector<256x512xi1>, vector<256x512xf32>
    %reduce_min3A_381 = arith.constant dense<0x7F800000> : vector<256xf32>
    %reduce_min3A_382 = vector.multi_reduction <minimumf>, %select_n3A_380, %reduce_min3A_381 [1] : vector<256x512xf32> to vector<256xf32>
    %broadcast_in_dim3A_383 = vector.shape_cast %reduce_min3A_382 : vector<256xf32> to vector<256x1xf32>
    %eq3A_384 = vector.broadcast %broadcast_in_dim3A_383 : vector<256x1xf32> to vector<256x512xf32>
    %eq3A_385 = arith.cmpf oeq, %select_n3A_364, %eq3A_384 : vector<256x512xf32>
    %select_n3A_386 = arith.select %eq3A_385, %select_n3A_359, %select_n3A_358 : vector<256x512xi1>, vector<256x512xf32>
    %select_n3A_387 = arith.select %eq3A_385, %select_n3A_360, %select_n3A_359 : vector<256x512xi1>, vector<256x512xf32>
    %select_n3A_388 = arith.select %eq3A_385, %select_n3A_363, %select_n3A_360 : vector<256x512xi1>, vector<256x512xf32>
    %jit3A_389 = arith.constant 0x7F800000 : f32
    %broadcast_in_dim3A_390 = vector.broadcast %jit3A_389 : f32 to vector<256x512xf32>
    %select_n3A_391 = arith.select %eq3A_385, %broadcast_in_dim3A_390, %select_n3A_363 : vector<256x512xi1>, vector<256x512xf32>
    %select_n3A_392 = arith.select %eq3A_385, %select_n3A_365, %select_n3A_364 : vector<256x512xi1>, vector<256x512xf32>
    %select_n3A_393 = arith.select %eq3A_385, %select_n3A_366, %select_n3A_365 : vector<256x512xi1>, vector<256x512xf32>
    %select_n3A_394 = arith.select %eq3A_385, %select_n3A_59, %select_n3A_366 : vector<256x512xi1>, vector<256x512xf32>
    %eq3A_395 = arith.constant 11 : i32
    %eq3A_396 = vector.broadcast %eq3A_395 : i32 to vector<256x16xi32>
    %eq3A_397 = arith.cmpi eq, %iota3A_65, %eq3A_396 : vector<256x16xi32>
    %broadcast_in_dim3A_398 = vector.shape_cast %broadcast_in_dim3A_383 : vector<256x1xf32> to vector<256x1xf32>
    %broadcast_in_dim3A_399 = vector.broadcast %broadcast_in_dim3A_398 : vector<256x1xf32> to vector<256x16xf32>
    %select_n3A_400 = arith.select %eq3A_397, %broadcast_in_dim3A_399, %select_n3A_372 : vector<256x16xi1>, vector<256x16xf32>
    %reduce_min3A_401 = arith.constant dense<0x7F800000> : vector<256xf32>
    %reduce_min3A_402 = vector.multi_reduction <minimumf>, %select_n3A_386, %reduce_min3A_401 [1] : vector<256x512xf32> to vector<256xf32>
    %broadcast_in_dim3A_403 = vector.shape_cast %reduce_min3A_402 : vector<256xf32> to vector<256x1xf32>
    %eq3A_404 = vector.broadcast %broadcast_in_dim3A_403 : vector<256x1xf32> to vector<256x512xf32>
    %eq3A_405 = arith.cmpf oeq, %select_n3A_386, %eq3A_404 : vector<256x512xf32>
    %jit3A_406 = arith.constant 2.048000e+03 : f32
    %broadcast_in_dim3A_407 = vector.broadcast %jit3A_406 : f32 to vector<256x512xf32>
    %select_n3A_408 = arith.select %eq3A_405, %select_n3A_392, %broadcast_in_dim3A_407 : vector<256x512xi1>, vector<256x512xf32>
    %reduce_min3A_409 = arith.constant dense<0x7F800000> : vector<256xf32>
    %reduce_min3A_410 = vector.multi_reduction <minimumf>, %select_n3A_408, %reduce_min3A_409 [1] : vector<256x512xf32> to vector<256xf32>
    %broadcast_in_dim3A_411 = vector.shape_cast %reduce_min3A_410 : vector<256xf32> to vector<256x1xf32>
    %eq3A_412 = vector.broadcast %broadcast_in_dim3A_411 : vector<256x1xf32> to vector<256x512xf32>
    %eq3A_413 = arith.cmpf oeq, %select_n3A_392, %eq3A_412 : vector<256x512xf32>
    %select_n3A_414 = arith.select %eq3A_413, %select_n3A_387, %select_n3A_386 : vector<256x512xi1>, vector<256x512xf32>
    %select_n3A_415 = arith.select %eq3A_413, %select_n3A_388, %select_n3A_387 : vector<256x512xi1>, vector<256x512xf32>
    %select_n3A_416 = arith.select %eq3A_413, %select_n3A_391, %select_n3A_388 : vector<256x512xi1>, vector<256x512xf32>
    %select_n3A_417 = arith.select %eq3A_413, %select_n3A_393, %select_n3A_392 : vector<256x512xi1>, vector<256x512xf32>
    %select_n3A_418 = arith.select %eq3A_413, %select_n3A_394, %select_n3A_393 : vector<256x512xi1>, vector<256x512xf32>
    %select_n3A_419 = arith.select %eq3A_413, %select_n3A_59, %select_n3A_394 : vector<256x512xi1>, vector<256x512xf32>
    %eq3A_420 = arith.constant 12 : i32
    %eq3A_421 = vector.broadcast %eq3A_420 : i32 to vector<256x16xi32>
    %eq3A_422 = arith.cmpi eq, %iota3A_65, %eq3A_421 : vector<256x16xi32>
    %broadcast_in_dim3A_423 = vector.shape_cast %broadcast_in_dim3A_411 : vector<256x1xf32> to vector<256x1xf32>
    %broadcast_in_dim3A_424 = vector.broadcast %broadcast_in_dim3A_423 : vector<256x1xf32> to vector<256x16xf32>
    %select_n3A_425 = arith.select %eq3A_422, %broadcast_in_dim3A_424, %select_n3A_400 : vector<256x16xi1>, vector<256x16xf32>
    %reduce_min3A_426 = arith.constant dense<0x7F800000> : vector<256xf32>
    %reduce_min3A_427 = vector.multi_reduction <minimumf>, %select_n3A_414, %reduce_min3A_426 [1] : vector<256x512xf32> to vector<256xf32>
    %broadcast_in_dim3A_428 = vector.shape_cast %reduce_min3A_427 : vector<256xf32> to vector<256x1xf32>
    %eq3A_429 = vector.broadcast %broadcast_in_dim3A_428 : vector<256x1xf32> to vector<256x512xf32>
    %eq3A_430 = arith.cmpf oeq, %select_n3A_414, %eq3A_429 : vector<256x512xf32>
    %jit3A_431 = arith.constant 2.048000e+03 : f32
    %broadcast_in_dim3A_432 = vector.broadcast %jit3A_431 : f32 to vector<256x512xf32>
    %select_n3A_433 = arith.select %eq3A_430, %select_n3A_417, %broadcast_in_dim3A_432 : vector<256x512xi1>, vector<256x512xf32>
    %reduce_min3A_434 = arith.constant dense<0x7F800000> : vector<256xf32>
    %reduce_min3A_435 = vector.multi_reduction <minimumf>, %select_n3A_433, %reduce_min3A_434 [1] : vector<256x512xf32> to vector<256xf32>
    %broadcast_in_dim3A_436 = vector.shape_cast %reduce_min3A_435 : vector<256xf32> to vector<256x1xf32>
    %eq3A_437 = vector.broadcast %broadcast_in_dim3A_436 : vector<256x1xf32> to vector<256x512xf32>
    %eq3A_438 = arith.cmpf oeq, %select_n3A_417, %eq3A_437 : vector<256x512xf32>
    %select_n3A_439 = arith.select %eq3A_438, %select_n3A_415, %select_n3A_414 : vector<256x512xi1>, vector<256x512xf32>
    %select_n3A_440 = arith.select %eq3A_438, %select_n3A_416, %select_n3A_415 : vector<256x512xi1>, vector<256x512xf32>
    %select_n3A_441 = arith.select %eq3A_438, %select_n3A_418, %select_n3A_417 : vector<256x512xi1>, vector<256x512xf32>
    %select_n3A_442 = arith.select %eq3A_438, %select_n3A_419, %select_n3A_418 : vector<256x512xi1>, vector<256x512xf32>
    %eq3A_443 = arith.constant 13 : i32
    %eq3A_444 = vector.broadcast %eq3A_443 : i32 to vector<256x16xi32>
    %eq3A_445 = arith.cmpi eq, %iota3A_65, %eq3A_444 : vector<256x16xi32>
    %broadcast_in_dim3A_446 = vector.shape_cast %broadcast_in_dim3A_436 : vector<256x1xf32> to vector<256x1xf32>
    %broadcast_in_dim3A_447 = vector.broadcast %broadcast_in_dim3A_446 : vector<256x1xf32> to vector<256x16xf32>
    %select_n3A_448 = arith.select %eq3A_445, %broadcast_in_dim3A_447, %select_n3A_425 : vector<256x16xi1>, vector<256x16xf32>
    %reduce_min3A_449 = arith.constant dense<0x7F800000> : vector<256xf32>
    %reduce_min3A_450 = vector.multi_reduction <minimumf>, %select_n3A_439, %reduce_min3A_449 [1] : vector<256x512xf32> to vector<256xf32>
    %broadcast_in_dim3A_451 = vector.shape_cast %reduce_min3A_450 : vector<256xf32> to vector<256x1xf32>
    %eq3A_452 = vector.broadcast %broadcast_in_dim3A_451 : vector<256x1xf32> to vector<256x512xf32>
    %eq3A_453 = arith.cmpf oeq, %select_n3A_439, %eq3A_452 : vector<256x512xf32>
    %jit3A_454 = arith.constant 2.048000e+03 : f32
    %broadcast_in_dim3A_455 = vector.broadcast %jit3A_454 : f32 to vector<256x512xf32>
    %select_n3A_456 = arith.select %eq3A_453, %select_n3A_441, %broadcast_in_dim3A_455 : vector<256x512xi1>, vector<256x512xf32>
    %reduce_min3A_457 = arith.constant dense<0x7F800000> : vector<256xf32>
    %reduce_min3A_458 = vector.multi_reduction <minimumf>, %select_n3A_456, %reduce_min3A_457 [1] : vector<256x512xf32> to vector<256xf32>
    %broadcast_in_dim3A_459 = vector.shape_cast %reduce_min3A_458 : vector<256xf32> to vector<256x1xf32>
    %eq3A_460 = vector.broadcast %broadcast_in_dim3A_459 : vector<256x1xf32> to vector<256x512xf32>
    %eq3A_461 = arith.cmpf oeq, %select_n3A_441, %eq3A_460 : vector<256x512xf32>
    %select_n3A_462 = arith.select %eq3A_461, %select_n3A_440, %select_n3A_439 : vector<256x512xi1>, vector<256x512xf32>
    %select_n3A_463 = arith.select %eq3A_461, %select_n3A_442, %select_n3A_441 : vector<256x512xi1>, vector<256x512xf32>
    %eq3A_464 = arith.constant 14 : i32
    %eq3A_465 = vector.broadcast %eq3A_464 : i32 to vector<256x16xi32>
    %eq3A_466 = arith.cmpi eq, %iota3A_65, %eq3A_465 : vector<256x16xi32>
    %broadcast_in_dim3A_467 = vector.shape_cast %broadcast_in_dim3A_459 : vector<256x1xf32> to vector<256x1xf32>
    %broadcast_in_dim3A_468 = vector.broadcast %broadcast_in_dim3A_467 : vector<256x1xf32> to vector<256x16xf32>
    %select_n3A_469 = arith.select %eq3A_466, %broadcast_in_dim3A_468, %select_n3A_448 : vector<256x16xi1>, vector<256x16xf32>
    %reduce_min3A_470 = arith.constant dense<0x7F800000> : vector<256xf32>
    %reduce_min3A_471 = vector.multi_reduction <minimumf>, %select_n3A_462, %reduce_min3A_470 [1] : vector<256x512xf32> to vector<256xf32>
    %broadcast_in_dim3A_472 = vector.shape_cast %reduce_min3A_471 : vector<256xf32> to vector<256x1xf32>
    %eq3A_473 = vector.broadcast %broadcast_in_dim3A_472 : vector<256x1xf32> to vector<256x512xf32>
    %eq3A_474 = arith.cmpf oeq, %select_n3A_462, %eq3A_473 : vector<256x512xf32>
    %jit3A_475 = arith.constant 2.048000e+03 : f32
    %broadcast_in_dim3A_476 = vector.broadcast %jit3A_475 : f32 to vector<256x512xf32>
    %select_n3A_477 = arith.select %eq3A_474, %select_n3A_463, %broadcast_in_dim3A_476 : vector<256x512xi1>, vector<256x512xf32>
    %reduce_min3A_478 = arith.constant dense<0x7F800000> : vector<256xf32>
    %reduce_min3A_479 = vector.multi_reduction <minimumf>, %select_n3A_477, %reduce_min3A_478 [1] : vector<256x512xf32> to vector<256xf32>
    %broadcast_in_dim3A_480 = vector.shape_cast %reduce_min3A_479 : vector<256xf32> to vector<256x1xf32>
    %eq3A_481 = arith.constant 15 : i32
    %eq3A_482 = vector.broadcast %eq3A_481 : i32 to vector<256x16xi32>
    %eq3A_483 = arith.cmpi eq, %iota3A_65, %eq3A_482 : vector<256x16xi32>
    %broadcast_in_dim3A_484 = vector.shape_cast %broadcast_in_dim3A_480 : vector<256x1xf32> to vector<256x1xf32>
    %broadcast_in_dim3A_485 = vector.broadcast %broadcast_in_dim3A_484 : vector<256x1xf32> to vector<256x16xf32>
    %select_n3A_486 = arith.select %eq3A_483, %broadcast_in_dim3A_485, %select_n3A_469 : vector<256x16xi1>, vector<256x16xf32>
    %transpose3A = tpu.transpose %select_n3A_486, [1, 0] : vector<256x16xf32> -> vector<16x256xf32>
    %convert_element_type3A_487 = arith.fptosi %transpose3A : vector<16x256xf32> to vector<16x256xi32>
    %mul3A_488 = arith.constant 2048 : i32
    %mul3A_489 = arith.muli %add3A_0, %mul3A_488 : i32
    %add3A_490 = vector.broadcast %mul3A_489 : i32 to vector<16x256xi32>
    %add3A_491 = arith.addi %convert_element_type3A_487, %add3A_490 : vector<16x256xi32>
    %swap3A = arith.constant 0 : index
    %swap3A_492 = arith.constant 0 : index
    %swap3A_493 = arith.constant 0 : index
    %swap3A_494 = arith.constant 0 : index
    %swap3A_495 = vector.load %arg4[%swap3A, %swap3A_492, %swap3A_493, %swap3A_494] : memref<1x1x16x256xi32, #tpu.memory_space<vmem>>, vector<1x1x16x256xi32>
    %swap3A_496 = vector.shape_cast %swap3A_495 : vector<1x1x16x256xi32> to vector<16x256xi32>
    %swap3A_497 = vector.shape_cast %add3A_491 : vector<16x256xi32> to vector<1x1x16x256xi32>
    tpu.vector_store %arg4[%swap3A, %swap3A_492, %swap3A_493, %swap3A_494], %swap3A_497 {strides = array<i32>} : memref<1x1x16x256xi32, #tpu.memory_space<vmem>>, vector<1x1x16x256xi32>,
    return
  }
  func.func @transform_0(%arg0: i32, %arg1: i32) -> (i32, i32, i32) {
    %c0_i32 = arith.constant 0 : i32
    %c0_i32_0 = arith.constant 0 : i32
    return %arg0, %arg1, %c0_i32 : i32, i32, i32
  }
  func.func @transform_1(%arg0: i32, %arg1: i32) -> (i32, i32, i32) {
    %c0_i32 = arith.constant 0 : i32
    %c0_i32_0 = arith.constant 0 : i32
    %c0_i32_1 = arith.constant 0 : i32
    return %arg0, %c0_i32, %c0_i32_0 : i32, i32, i32
  }
  func.func @transform_2(%arg0: i32, %arg1: i32) -> (i32, i32, i32, i32) {
    %c0_i32 = arith.constant 0 : i32
    %c0_i32_0 = arith.constant 0 : i32
    %c0_i32_1 = arith.constant 0 : i32
    return %arg0, %arg1, %c0_i32, %c0_i32_0 : i32, i32, i32, i32
  }
}

module attributes {stable_mosaic.version = 14 : i64} {
  func.func @_topk_body(%arg0: i32, %arg1: i32, %arg2: memref<1x256x3xf32, #tpu.memory_space<vmem>>, %arg3: memref<1x3x2048xf32, #tpu.memory_space<vmem>>, %arg4: memref<1x1x16x256xi32, #tpu.memory_space<vmem>>) attributes {dimension_semantics = [#tpu.dimension_semantics<parallel>, #tpu.dimension_semantics<parallel>], iteration_bounds = array<i64: 4, 8>, scalar_prefetch = 0 : i64, scratch_operands = 0 : i64, tpu.core_type = #tpu.core_type<tc>, window_params = [{transform_indices = @transform_0, window_bounds = array<i64: 1, 256, 3>}, {transform_indices = @transform_1, window_bounds = array<i64: 1, 3, 2048>}, {transform_indices = @transform_2, window_bounds = array<i64: 1, 1, 16, 256>}]} {
    %add3A = arith.constant 4 : i32
    %add3A_0 = arith.addi %arg0, %add3A : i32
    %get3A = arith.constant 0 : index
    %get3A_1 = arith.constant 0 : index
    %get3A_2 = arith.constant 0 : index
    %get3A_3 = vector.load %arg2[%get3A, %get3A_1, %get3A_2] : memref<1x256x3xf32, #tpu.memory_space<vmem>>, vector<1x256x3xf32>
    %get3A_4 = vector.shape_cast %get3A_3 : vector<1x256x3xf32> to vector<256x3xf32>
    %get3A_5 = arith.constant 0 : index
    %get3A_6 = arith.constant 0 : index
    %get3A_7 = arith.constant 0 : index
    %get3A_8 = vector.load %arg3[%get3A_5, %get3A_6, %get3A_7] : memref<1x3x2048xf32, #tpu.memory_space<vmem>>, vector<1x3x2048xf32>
    %get3A_9 = vector.shape_cast %get3A_8 : vector<1x3x2048xf32> to vector<3x2048xf32>
    %mul3A = arith.mulf %get3A_4, %get3A_4 : vector<256x3xf32>
    %reduce_sum3A = arith.constant dense<0.000000e+00> : vector<256xf32>
    %reduce_sum3A_10 = vector.multi_reduction <add>, %mul3A, %reduce_sum3A [1] : vector<256x3xf32> to vector<256xf32>
    %broadcast_in_dim3A = vector.shape_cast %reduce_sum3A_10 : vector<256xf32> to vector<256x1xf32>
    %mul3A_11 = arith.mulf %get3A_9, %get3A_9 : vector<3x2048xf32>
    %reduce_sum3A_12 = arith.constant dense<0.000000e+00> : vector<2048xf32>
    %reduce_sum3A_13 = vector.multi_reduction <add>, %mul3A_11, %reduce_sum3A_12 [0] : vector<3x2048xf32> to vector<2048xf32>
    %broadcast_in_dim3A_14 = vector.shape_cast %reduce_sum3A_13 : vector<2048xf32> to vector<1x2048xf32>
    %add3A_15 = vector.broadcast %broadcast_in_dim3A : vector<256x1xf32> to vector<256x2048xf32>
    %add3A_16 = vector.broadcast %broadcast_in_dim3A_14 : vector<1x2048xf32> to vector<256x2048xf32>
    %add3A_17 = arith.addf %add3A_15, %add3A_16 : vector<256x2048xf32>
    %dot_general3A = arith.constant dense<0.000000e+00> : vector<256x2048xf32>
    %dot_general3A_18 = tpu.matmul %get3A_4, %get3A_9, %dot_general3A {dimension_numbers = #tpu.dot_dimension_numbers<[1], [0], [0], [1], [0, 0, 1, 1], [], []>, transpose_lhs_hint = false} : vector<256x3xf32>, vector<3x2048xf32>, vector<256x2048xf32> -> vector<256x2048xf32>
    %mul3A_19 = arith.constant 2.000000e+00 : f32
    %mul3A_20 = vector.broadcast %mul3A_19 : f32 to vector<256x2048xf32>
    %mul3A_21 = arith.mulf %mul3A_20, %dot_general3A_18 : vector<256x2048xf32>
    %sub3A = arith.subf %add3A_17, %mul3A_21 : vector<256x2048xf32>
    %iota3A = tpu.iota {dimensions = array<i32: 1>} : vector<256x512xi32>
    %convert_element_type3A = arith.sitofp %iota3A : vector<256x512xi32> to vector<256x512xf32>
    %slice3A = vector.extract_strided_slice %sub3A {offsets = [0, 0], sizes = [256, 512], strides = [1, 1]} : vector<256x2048xf32> to vector<256x512xf32>
    %slice3A_22 = vector.extract_strided_slice %sub3A {offsets = [0, 512], sizes = [256, 512], strides = [1, 1]} : vector<256x2048xf32> to vector<256x512xf32>
    %slice3A_23 = vector.extract_strided_slice %sub3A {offsets = [0, 1024], sizes = [256, 512], strides = [1, 1]} : vector<256x2048xf32> to vector<256x512xf32>
    %slice3A_24 = vector.extract_strided_slice %sub3A {offsets = [0, 1536], sizes = [256, 512], strides = [1, 1]} : vector<256x2048xf32> to vector<256x512xf32>
    %add3A_25 = arith.constant 0.000000e+00 : f32
    %add3A_26 = vector.broadcast %add3A_25 : f32 to vector<256x512xf32>
    %add3A_27 = arith.addf %convert_element_type3A, %add3A_26 : vector<256x512xf32>
    %add3A_28 = arith.constant 5.120000e+02 : f32
    %add3A_29 = vector.broadcast %add3A_28 : f32 to vector<256x512xf32>
    %add3A_30 = arith.addf %convert_element_type3A, %add3A_29 : vector<256x512xf32>
    %add3A_31 = arith.constant 1.024000e+03 : f32
    %add3A_32 = vector.broadcast %add3A_31 : f32 to vector<256x512xf32>
    %add3A_33 = arith.addf %convert_element_type3A, %add3A_32 : vector<256x512xf32>
    %add3A_34 = arith.constant 1.536000e+03 : f32
    %add3A_35 = vector.broadcast %add3A_34 : f32 to vector<256x512xf32>
    %add3A_36 = arith.addf %convert_element_type3A, %add3A_35 : vector<256x512xf32>
    %lt3A = arith.cmpf olt, %slice3A_22, %slice3A : vector<256x512xf32>
    %select_n3A = arith.select %lt3A, %slice3A_22, %slice3A : vector<256x512xi1>, vector<256x512xf32>
    %select_n3A_37 = arith.select %lt3A, %slice3A, %slice3A_22 : vector<256x512xi1>, vector<256x512xf32>
    %select_n3A_38 = arith.select %lt3A, %add3A_30, %add3A_27 : vector<256x512xi1>, vector<256x512xf32>
    %select_n3A_39 = arith.select %lt3A, %add3A_27, %add3A_30 : vector<256x512xi1>, vector<256x512xf32>
    %lt3A_40 = arith.cmpf olt, %slice3A_24, %slice3A_23 : vector<256x512xf32>
    %select_n3A_41 = arith.select %lt3A_40, %slice3A_24, %slice3A_23 : vector<256x512xi1>, vector<256x512xf32>
    %select_n3A_42 = arith.select %lt3A_40, %slice3A_23, %slice3A_24 : vector<256x512xi1>, vector<256x512xf32>
    %select_n3A_43 = arith.select %lt3A_40, %add3A_36, %add3A_33 : vector<256x512xi1>, vector<256x512xf32>
    %select_n3A_44 = arith.select %lt3A_40, %add3A_33, %add3A_36 : vector<256x512xi1>, vector<256x512xf32>
    %lt3A_45 = arith.cmpf olt, %select_n3A_41, %select_n3A_37 : vector<256x512xf32>
    %select_n3A_46 = arith.select %lt3A_45, %select_n3A_41, %select_n3A_37 : vector<256x512xi1>, vector<256x512xf32>
    %select_n3A_47 = arith.select %lt3A_45, %select_n3A_37, %select_n3A_41 : vector<256x512xi1>, vector<256x512xf32>
    %select_n3A_48 = arith.select %lt3A_45, %select_n3A_43, %select_n3A_39 : vector<256x512xi1>, vector<256x512xf32>
    %select_n3A_49 = arith.select %lt3A_45, %select_n3A_39, %select_n3A_43 : vector<256x512xi1>, vector<256x512xf32>
    %lt3A_50 = arith.cmpf olt, %select_n3A_46, %select_n3A : vector<256x512xf32>
    %select_n3A_51 = arith.select %lt3A_50, %select_n3A_46, %select_n3A : vector<256x512xi1>, vector<256x512xf32>
    %select_n3A_52 = arith.select %lt3A_50, %select_n3A, %select_n3A_46 : vector<256x512xi1>, vector<256x512xf32>
    %select_n3A_53 = arith.select %lt3A_50, %select_n3A_48, %select_n3A_38 : vector<256x512xi1>, vector<256x512xf32>
    %select_n3A_54 = arith.select %lt3A_50, %select_n3A_38, %select_n3A_48 : vector<256x512xi1>, vector<256x512xf32>
    %lt3A_55 = arith.cmpf olt, %select_n3A_42, %select_n3A_47 : vector<256x512xf32>
    %select_n3A_56 = arith.select %lt3A_55, %select_n3A_42, %select_n3A_47 : vector<256x512xi1>, vector<256x512xf32>
    %select_n3A_57 = arith.select %lt3A_55, %select_n3A_47, %select_n3A_42 : vector<256x512xi1>, vector<256x512xf32>
    %select_n3A_58 = arith.select %lt3A_55, %select_n3A_44, %select_n3A_49 : vector<256x512xi1>, vector<256x512xf32>
    %select_n3A_59 = arith.select %lt3A_55, %select_n3A_49, %select_n3A_44 : vector<256x512xi1>, vector<256x512xf32>
    %lt3A_60 = arith.cmpf olt, %select_n3A_56, %select_n3A_52 : vector<256x512xf32>
    %select_n3A_61 = arith.select %lt3A_60, %select_n3A_56, %select_n3A_52 : vector<256x512xi1>, vector<256x512xf32>
    %select_n3A_62 = arith.select %lt3A_60, %select_n3A_52, %select_n3A_56 : vector<256x512xi1>, vector<256x512xf32>
    %select_n3A_63 = arith.select %lt3A_60, %select_n3A_58, %select_n3A_54 : vector<256x512xi1>, vector<256x512xf32>
    %select_n3A_64 = arith.select %lt3A_60, %select_n3A_54, %select_n3A_58 : vector<256x512xi1>, vector<256x512xf32>
    %iota3A_65 = tpu.iota {dimensions = array<i32: 1>} : vector<256x16xi32>
    %broadcast_in_dim3A_66 = arith.constant 0.000000e+00 : f32
    %broadcast_in_dim3A_67 = vector.broadcast %broadcast_in_dim3A_66 : f32 to vector<256x16xf32>
    %reduce_min3A = arith.constant dense<0x7F800000> : vector<256xf32>
    %reduce_min3A_68 = vector.multi_reduction <minimumf>, %select_n3A_51, %reduce_min3A [1] : vector<256x512xf32> to vector<256xf32>
    %broadcast_in_dim3A_69 = vector.shape_cast %reduce_min3A_68 : vector<256xf32> to vector<256x1xf32>
    %eq3A = vector.broadcast %broadcast_in_dim3A_69 : vector<256x1xf32> to vector<256x512xf32>
    %eq3A_70 = arith.cmpf oeq, %select_n3A_51, %eq3A : vector<256x512xf32>
    %jit3A = arith.constant 2.048000e+03 : f32
    %broadcast_in_dim3A_71 = vector.broadcast %jit3A : f32 to vector<256x512xf32>
    %select_n3A_72 = arith.select %eq3A_70, %select_n3A_53, %broadcast_in_dim3A_71 : vector<256x512xi1>, vector<256x512xf32>
    %reduce_min3A_73 = arith.constant dense<0x7F800000> : vector<256xf32>
    %reduce_min3A_74 = vector.multi_reduction <minimumf>, %select_n3A_72, %reduce_min3A_73 [1] : vector<256x512xf32> to vector<256xf32>
    %broadcast_in_dim3A_75 = vector.shape_cast %reduce_min3A_74 : vector<256xf32> to vector<256x1xf32>
    %eq3A_76 = vector.broadcast %broadcast_in_dim3A_75 : vector<256x1xf32> to vector<256x512xf32>
    %eq3A_77 = arith.cmpf oeq, %select_n3A_53, %eq3A_76 : vector<256x512xf32>
    %select_n3A_78 = arith.select %eq3A_77, %select_n3A_61, %select_n3A_51 : vector<256x512xi1>, vector<256x512xf32>
    %select_n3A_79 = arith.select %eq3A_77, %select_n3A_62, %select_n3A_61 : vector<256x512xi1>, vector<256x512xf32>
    %select_n3A_80 = arith.select %eq3A_77, %select_n3A_57, %select_n3A_62 : vector<256x512xi1>, vector<256x512xf32>
    %jit3A_81 = arith.constant 0x7F800000 : f32
    %broadcast_in_dim3A_82 = vector.broadcast %jit3A_81 : f32 to vector<256x512xf32>
    %select_n3A_83 = arith.select %eq3A_77, %broadcast_in_dim3A_82, %select_n3A_57 : vector<256x512xi1>, vector<256x512xf32>
    %select_n3A_84 = arith.select %eq3A_77, %select_n3A_63, %select_n3A_53 : vector<256x512xi1>, vector<256x512xf32>
    %select_n3A_85 = arith.select %eq3A_77, %select_n3A_64, %select_n3A_63 : vector<256x512xi1>, vector<256x512xf32>
    %select_n3A_86 = arith.select %eq3A_77, %select_n3A_59, %select_n3A_64 : vector<256x512xi1>, vector<256x512xf32>
    %eq3A_87 = arith.constant 0 : i32
    %eq3A_88 = vector.broadcast %eq3A_87 : i32 to vector<256x16xi32>
    %eq3A_89 = arith.cmpi eq, %iota3A_65, %eq3A_88 : vector<256x16xi32>
    %broadcast_in_dim3A_90 = vector.shape_cast %broadcast_in_dim3A_75 : vector<256x1xf32> to vector<256x1xf32>
    %broadcast_in_dim3A_91 = vector.broadcast %broadcast_in_dim3A_90 : vector<256x1xf32> to vector<256x16xf32>
    %select_n3A_92 = arith.select %eq3A_89, %broadcast_in_dim3A_91, %broadcast_in_dim3A_67 : vector<256x16xi1>, vector<256x16xf32>
    %reduce_min3A_93 = arith.constant dense<0x7F800000> : vector<256xf32>
    %reduce_min3A_94 = vector.multi_reduction <minimumf>, %select_n3A_78, %reduce_min3A_93 [1] : vector<256x512xf32> to vector<256xf32>
    %broadcast_in_dim3A_95 = vector.shape_cast %reduce_min3A_94 : vector<256xf32> to vector<256x1xf32>
    %eq3A_96 = vector.broadcast %broadcast_in_dim3A_95 : vector<256x1xf32> to vector<256x512xf32>
    %eq3A_97 = arith.cmpf oeq, %select_n3A_78, %eq3A_96 : vector<256x512xf32>
    %jit3A_98 = arith.constant 2.048000e+03 : f32
    %broadcast_in_dim3A_99 = vector.broadcast %jit3A_98 : f32 to vector<256x512xf32>
    %select_n3A_100 = arith.select %eq3A_97, %select_n3A_84, %broadcast_in_dim3A_99 : vector<256x512xi1>, vector<256x512xf32>
    %reduce_min3A_101 = arith.constant dense<0x7F800000> : vector<256xf32>
    %reduce_min3A_102 = vector.multi_reduction <minimumf>, %select_n3A_100, %reduce_min3A_101 [1] : vector<256x512xf32> to vector<256xf32>
    %broadcast_in_dim3A_103 = vector.shape_cast %reduce_min3A_102 : vector<256xf32> to vector<256x1xf32>
    %eq3A_104 = vector.broadcast %broadcast_in_dim3A_103 : vector<256x1xf32> to vector<256x512xf32>
    %eq3A_105 = arith.cmpf oeq, %select_n3A_84, %eq3A_104 : vector<256x512xf32>
    %select_n3A_106 = arith.select %eq3A_105, %select_n3A_79, %select_n3A_78 : vector<256x512xi1>, vector<256x512xf32>
    %select_n3A_107 = arith.select %eq3A_105, %select_n3A_80, %select_n3A_79 : vector<256x512xi1>, vector<256x512xf32>
    %select_n3A_108 = arith.select %eq3A_105, %select_n3A_83, %select_n3A_80 : vector<256x512xi1>, vector<256x512xf32>
    %jit3A_109 = arith.constant 0x7F800000 : f32
    %broadcast_in_dim3A_110 = vector.broadcast %jit3A_109 : f32 to vector<256x512xf32>
    %select_n3A_111 = arith.select %eq3A_105, %broadcast_in_dim3A_110, %select_n3A_83 : vector<256x512xi1>, vector<256x512xf32>
    %select_n3A_112 = arith.select %eq3A_105, %select_n3A_85, %select_n3A_84 : vector<256x512xi1>, vector<256x512xf32>
    %select_n3A_113 = arith.select %eq3A_105, %select_n3A_86, %select_n3A_85 : vector<256x512xi1>, vector<256x512xf32>
    %select_n3A_114 = arith.select %eq3A_105, %select_n3A_59, %select_n3A_86 : vector<256x512xi1>, vector<256x512xf32>
    %eq3A_115 = arith.constant 1 : i32
    %eq3A_116 = vector.broadcast %eq3A_115 : i32 to vector<256x16xi32>
    %eq3A_117 = arith.cmpi eq, %iota3A_65, %eq3A_116 : vector<256x16xi32>
    %broadcast_in_dim3A_118 = vector.shape_cast %broadcast_in_dim3A_103 : vector<256x1xf32> to vector<256x1xf32>
    %broadcast_in_dim3A_119 = vector.broadcast %broadcast_in_dim3A_118 : vector<256x1xf32> to vector<256x16xf32>
    %select_n3A_120 = arith.select %eq3A_117, %broadcast_in_dim3A_119, %select_n3A_92 : vector<256x16xi1>, vector<256x16xf32>
    %reduce_min3A_121 = arith.constant dense<0x7F800000> : vector<256xf32>
    %reduce_min3A_122 = vector.multi_reduction <minimumf>, %select_n3A_106, %reduce_min3A_121 [1] : vector<256x512xf32> to vector<256xf32>
    %broadcast_in_dim3A_123 = vector.shape_cast %reduce_min3A_122 : vector<256xf32> to vector<256x1xf32>
    %eq3A_124 = vector.broadcast %broadcast_in_dim3A_123 : vector<256x1xf32> to vector<256x512xf32>
    %eq3A_125 = arith.cmpf oeq, %select_n3A_106, %eq3A_124 : vector<256x512xf32>
    %jit3A_126 = arith.constant 2.048000e+03 : f32
    %broadcast_in_dim3A_127 = vector.broadcast %jit3A_126 : f32 to vector<256x512xf32>
    %select_n3A_128 = arith.select %eq3A_125, %select_n3A_112, %broadcast_in_dim3A_127 : vector<256x512xi1>, vector<256x512xf32>
    %reduce_min3A_129 = arith.constant dense<0x7F800000> : vector<256xf32>
    %reduce_min3A_130 = vector.multi_reduction <minimumf>, %select_n3A_128, %reduce_min3A_129 [1] : vector<256x512xf32> to vector<256xf32>
    %broadcast_in_dim3A_131 = vector.shape_cast %reduce_min3A_130 : vector<256xf32> to vector<256x1xf32>
    %eq3A_132 = vector.broadcast %broadcast_in_dim3A_131 : vector<256x1xf32> to vector<256x512xf32>
    %eq3A_133 = arith.cmpf oeq, %select_n3A_112, %eq3A_132 : vector<256x512xf32>
    %select_n3A_134 = arith.select %eq3A_133, %select_n3A_107, %select_n3A_106 : vector<256x512xi1>, vector<256x512xf32>
    %select_n3A_135 = arith.select %eq3A_133, %select_n3A_108, %select_n3A_107 : vector<256x512xi1>, vector<256x512xf32>
    %select_n3A_136 = arith.select %eq3A_133, %select_n3A_111, %select_n3A_108 : vector<256x512xi1>, vector<256x512xf32>
    %jit3A_137 = arith.constant 0x7F800000 : f32
    %broadcast_in_dim3A_138 = vector.broadcast %jit3A_137 : f32 to vector<256x512xf32>
    %select_n3A_139 = arith.select %eq3A_133, %broadcast_in_dim3A_138, %select_n3A_111 : vector<256x512xi1>, vector<256x512xf32>
    %select_n3A_140 = arith.select %eq3A_133, %select_n3A_113, %select_n3A_112 : vector<256x512xi1>, vector<256x512xf32>
    %select_n3A_141 = arith.select %eq3A_133, %select_n3A_114, %select_n3A_113 : vector<256x512xi1>, vector<256x512xf32>
    %select_n3A_142 = arith.select %eq3A_133, %select_n3A_59, %select_n3A_114 : vector<256x512xi1>, vector<256x512xf32>
    %eq3A_143 = arith.constant 2 : i32
    %eq3A_144 = vector.broadcast %eq3A_143 : i32 to vector<256x16xi32>
    %eq3A_145 = arith.cmpi eq, %iota3A_65, %eq3A_144 : vector<256x16xi32>
    %broadcast_in_dim3A_146 = vector.shape_cast %broadcast_in_dim3A_131 : vector<256x1xf32> to vector<256x1xf32>
    %broadcast_in_dim3A_147 = vector.broadcast %broadcast_in_dim3A_146 : vector<256x1xf32> to vector<256x16xf32>
    %select_n3A_148 = arith.select %eq3A_145, %broadcast_in_dim3A_147, %select_n3A_120 : vector<256x16xi1>, vector<256x16xf32>
    %reduce_min3A_149 = arith.constant dense<0x7F800000> : vector<256xf32>
    %reduce_min3A_150 = vector.multi_reduction <minimumf>, %select_n3A_134, %reduce_min3A_149 [1] : vector<256x512xf32> to vector<256xf32>
    %broadcast_in_dim3A_151 = vector.shape_cast %reduce_min3A_150 : vector<256xf32> to vector<256x1xf32>
    %eq3A_152 = vector.broadcast %broadcast_in_dim3A_151 : vector<256x1xf32> to vector<256x512xf32>
    %eq3A_153 = arith.cmpf oeq, %select_n3A_134, %eq3A_152 : vector<256x512xf32>
    %jit3A_154 = arith.constant 2.048000e+03 : f32
    %broadcast_in_dim3A_155 = vector.broadcast %jit3A_154 : f32 to vector<256x512xf32>
    %select_n3A_156 = arith.select %eq3A_153, %select_n3A_140, %broadcast_in_dim3A_155 : vector<256x512xi1>, vector<256x512xf32>
    %reduce_min3A_157 = arith.constant dense<0x7F800000> : vector<256xf32>
    %reduce_min3A_158 = vector.multi_reduction <minimumf>, %select_n3A_156, %reduce_min3A_157 [1] : vector<256x512xf32> to vector<256xf32>
    %broadcast_in_dim3A_159 = vector.shape_cast %reduce_min3A_158 : vector<256xf32> to vector<256x1xf32>
    %eq3A_160 = vector.broadcast %broadcast_in_dim3A_159 : vector<256x1xf32> to vector<256x512xf32>
    %eq3A_161 = arith.cmpf oeq, %select_n3A_140, %eq3A_160 : vector<256x512xf32>
    %select_n3A_162 = arith.select %eq3A_161, %select_n3A_135, %select_n3A_134 : vector<256x512xi1>, vector<256x512xf32>
    %select_n3A_163 = arith.select %eq3A_161, %select_n3A_136, %select_n3A_135 : vector<256x512xi1>, vector<256x512xf32>
    %select_n3A_164 = arith.select %eq3A_161, %select_n3A_139, %select_n3A_136 : vector<256x512xi1>, vector<256x512xf32>
    %jit3A_165 = arith.constant 0x7F800000 : f32
    %broadcast_in_dim3A_166 = vector.broadcast %jit3A_165 : f32 to vector<256x512xf32>
    %select_n3A_167 = arith.select %eq3A_161, %broadcast_in_dim3A_166, %select_n3A_139 : vector<256x512xi1>, vector<256x512xf32>
    %select_n3A_168 = arith.select %eq3A_161, %select_n3A_141, %select_n3A_140 : vector<256x512xi1>, vector<256x512xf32>
    %select_n3A_169 = arith.select %eq3A_161, %select_n3A_142, %select_n3A_141 : vector<256x512xi1>, vector<256x512xf32>
    %select_n3A_170 = arith.select %eq3A_161, %select_n3A_59, %select_n3A_142 : vector<256x512xi1>, vector<256x512xf32>
    %eq3A_171 = arith.constant 3 : i32
    %eq3A_172 = vector.broadcast %eq3A_171 : i32 to vector<256x16xi32>
    %eq3A_173 = arith.cmpi eq, %iota3A_65, %eq3A_172 : vector<256x16xi32>
    %broadcast_in_dim3A_174 = vector.shape_cast %broadcast_in_dim3A_159 : vector<256x1xf32> to vector<256x1xf32>
    %broadcast_in_dim3A_175 = vector.broadcast %broadcast_in_dim3A_174 : vector<256x1xf32> to vector<256x16xf32>
    %select_n3A_176 = arith.select %eq3A_173, %broadcast_in_dim3A_175, %select_n3A_148 : vector<256x16xi1>, vector<256x16xf32>
    %reduce_min3A_177 = arith.constant dense<0x7F800000> : vector<256xf32>
    %reduce_min3A_178 = vector.multi_reduction <minimumf>, %select_n3A_162, %reduce_min3A_177 [1] : vector<256x512xf32> to vector<256xf32>
    %broadcast_in_dim3A_179 = vector.shape_cast %reduce_min3A_178 : vector<256xf32> to vector<256x1xf32>
    %eq3A_180 = vector.broadcast %broadcast_in_dim3A_179 : vector<256x1xf32> to vector<256x512xf32>
    %eq3A_181 = arith.cmpf oeq, %select_n3A_162, %eq3A_180 : vector<256x512xf32>
    %jit3A_182 = arith.constant 2.048000e+03 : f32
    %broadcast_in_dim3A_183 = vector.broadcast %jit3A_182 : f32 to vector<256x512xf32>
    %select_n3A_184 = arith.select %eq3A_181, %select_n3A_168, %broadcast_in_dim3A_183 : vector<256x512xi1>, vector<256x512xf32>
    %reduce_min3A_185 = arith.constant dense<0x7F800000> : vector<256xf32>
    %reduce_min3A_186 = vector.multi_reduction <minimumf>, %select_n3A_184, %reduce_min3A_185 [1] : vector<256x512xf32> to vector<256xf32>
    %broadcast_in_dim3A_187 = vector.shape_cast %reduce_min3A_186 : vector<256xf32> to vector<256x1xf32>
    %eq3A_188 = vector.broadcast %broadcast_in_dim3A_187 : vector<256x1xf32> to vector<256x512xf32>
    %eq3A_189 = arith.cmpf oeq, %select_n3A_168, %eq3A_188 : vector<256x512xf32>
    %select_n3A_190 = arith.select %eq3A_189, %select_n3A_163, %select_n3A_162 : vector<256x512xi1>, vector<256x512xf32>
    %select_n3A_191 = arith.select %eq3A_189, %select_n3A_164, %select_n3A_163 : vector<256x512xi1>, vector<256x512xf32>
    %select_n3A_192 = arith.select %eq3A_189, %select_n3A_167, %select_n3A_164 : vector<256x512xi1>, vector<256x512xf32>
    %jit3A_193 = arith.constant 0x7F800000 : f32
    %broadcast_in_dim3A_194 = vector.broadcast %jit3A_193 : f32 to vector<256x512xf32>
    %select_n3A_195 = arith.select %eq3A_189, %broadcast_in_dim3A_194, %select_n3A_167 : vector<256x512xi1>, vector<256x512xf32>
    %select_n3A_196 = arith.select %eq3A_189, %select_n3A_169, %select_n3A_168 : vector<256x512xi1>, vector<256x512xf32>
    %select_n3A_197 = arith.select %eq3A_189, %select_n3A_170, %select_n3A_169 : vector<256x512xi1>, vector<256x512xf32>
    %select_n3A_198 = arith.select %eq3A_189, %select_n3A_59, %select_n3A_170 : vector<256x512xi1>, vector<256x512xf32>
    %eq3A_199 = arith.constant 4 : i32
    %eq3A_200 = vector.broadcast %eq3A_199 : i32 to vector<256x16xi32>
    %eq3A_201 = arith.cmpi eq, %iota3A_65, %eq3A_200 : vector<256x16xi32>
    %broadcast_in_dim3A_202 = vector.shape_cast %broadcast_in_dim3A_187 : vector<256x1xf32> to vector<256x1xf32>
    %broadcast_in_dim3A_203 = vector.broadcast %broadcast_in_dim3A_202 : vector<256x1xf32> to vector<256x16xf32>
    %select_n3A_204 = arith.select %eq3A_201, %broadcast_in_dim3A_203, %select_n3A_176 : vector<256x16xi1>, vector<256x16xf32>
    %reduce_min3A_205 = arith.constant dense<0x7F800000> : vector<256xf32>
    %reduce_min3A_206 = vector.multi_reduction <minimumf>, %select_n3A_190, %reduce_min3A_205 [1] : vector<256x512xf32> to vector<256xf32>
    %broadcast_in_dim3A_207 = vector.shape_cast %reduce_min3A_206 : vector<256xf32> to vector<256x1xf32>
    %eq3A_208 = vector.broadcast %broadcast_in_dim3A_207 : vector<256x1xf32> to vector<256x512xf32>
    %eq3A_209 = arith.cmpf oeq, %select_n3A_190, %eq3A_208 : vector<256x512xf32>
    %jit3A_210 = arith.constant 2.048000e+03 : f32
    %broadcast_in_dim3A_211 = vector.broadcast %jit3A_210 : f32 to vector<256x512xf32>
    %select_n3A_212 = arith.select %eq3A_209, %select_n3A_196, %broadcast_in_dim3A_211 : vector<256x512xi1>, vector<256x512xf32>
    %reduce_min3A_213 = arith.constant dense<0x7F800000> : vector<256xf32>
    %reduce_min3A_214 = vector.multi_reduction <minimumf>, %select_n3A_212, %reduce_min3A_213 [1] : vector<256x512xf32> to vector<256xf32>
    %broadcast_in_dim3A_215 = vector.shape_cast %reduce_min3A_214 : vector<256xf32> to vector<256x1xf32>
    %eq3A_216 = vector.broadcast %broadcast_in_dim3A_215 : vector<256x1xf32> to vector<256x512xf32>
    %eq3A_217 = arith.cmpf oeq, %select_n3A_196, %eq3A_216 : vector<256x512xf32>
    %select_n3A_218 = arith.select %eq3A_217, %select_n3A_191, %select_n3A_190 : vector<256x512xi1>, vector<256x512xf32>
    %select_n3A_219 = arith.select %eq3A_217, %select_n3A_192, %select_n3A_191 : vector<256x512xi1>, vector<256x512xf32>
    %select_n3A_220 = arith.select %eq3A_217, %select_n3A_195, %select_n3A_192 : vector<256x512xi1>, vector<256x512xf32>
    %jit3A_221 = arith.constant 0x7F800000 : f32
    %broadcast_in_dim3A_222 = vector.broadcast %jit3A_221 : f32 to vector<256x512xf32>
    %select_n3A_223 = arith.select %eq3A_217, %broadcast_in_dim3A_222, %select_n3A_195 : vector<256x512xi1>, vector<256x512xf32>
    %select_n3A_224 = arith.select %eq3A_217, %select_n3A_197, %select_n3A_196 : vector<256x512xi1>, vector<256x512xf32>
    %select_n3A_225 = arith.select %eq3A_217, %select_n3A_198, %select_n3A_197 : vector<256x512xi1>, vector<256x512xf32>
    %select_n3A_226 = arith.select %eq3A_217, %select_n3A_59, %select_n3A_198 : vector<256x512xi1>, vector<256x512xf32>
    %eq3A_227 = arith.constant 5 : i32
    %eq3A_228 = vector.broadcast %eq3A_227 : i32 to vector<256x16xi32>
    %eq3A_229 = arith.cmpi eq, %iota3A_65, %eq3A_228 : vector<256x16xi32>
    %broadcast_in_dim3A_230 = vector.shape_cast %broadcast_in_dim3A_215 : vector<256x1xf32> to vector<256x1xf32>
    %broadcast_in_dim3A_231 = vector.broadcast %broadcast_in_dim3A_230 : vector<256x1xf32> to vector<256x16xf32>
    %select_n3A_232 = arith.select %eq3A_229, %broadcast_in_dim3A_231, %select_n3A_204 : vector<256x16xi1>, vector<256x16xf32>
    %reduce_min3A_233 = arith.constant dense<0x7F800000> : vector<256xf32>
    %reduce_min3A_234 = vector.multi_reduction <minimumf>, %select_n3A_218, %reduce_min3A_233 [1] : vector<256x512xf32> to vector<256xf32>
    %broadcast_in_dim3A_235 = vector.shape_cast %reduce_min3A_234 : vector<256xf32> to vector<256x1xf32>
    %eq3A_236 = vector.broadcast %broadcast_in_dim3A_235 : vector<256x1xf32> to vector<256x512xf32>
    %eq3A_237 = arith.cmpf oeq, %select_n3A_218, %eq3A_236 : vector<256x512xf32>
    %jit3A_238 = arith.constant 2.048000e+03 : f32
    %broadcast_in_dim3A_239 = vector.broadcast %jit3A_238 : f32 to vector<256x512xf32>
    %select_n3A_240 = arith.select %eq3A_237, %select_n3A_224, %broadcast_in_dim3A_239 : vector<256x512xi1>, vector<256x512xf32>
    %reduce_min3A_241 = arith.constant dense<0x7F800000> : vector<256xf32>
    %reduce_min3A_242 = vector.multi_reduction <minimumf>, %select_n3A_240, %reduce_min3A_241 [1] : vector<256x512xf32> to vector<256xf32>
    %broadcast_in_dim3A_243 = vector.shape_cast %reduce_min3A_242 : vector<256xf32> to vector<256x1xf32>
    %eq3A_244 = vector.broadcast %broadcast_in_dim3A_243 : vector<256x1xf32> to vector<256x512xf32>
    %eq3A_245 = arith.cmpf oeq, %select_n3A_224, %eq3A_244 : vector<256x512xf32>
    %select_n3A_246 = arith.select %eq3A_245, %select_n3A_219, %select_n3A_218 : vector<256x512xi1>, vector<256x512xf32>
    %select_n3A_247 = arith.select %eq3A_245, %select_n3A_220, %select_n3A_219 : vector<256x512xi1>, vector<256x512xf32>
    %select_n3A_248 = arith.select %eq3A_245, %select_n3A_223, %select_n3A_220 : vector<256x512xi1>, vector<256x512xf32>
    %jit3A_249 = arith.constant 0x7F800000 : f32
    %broadcast_in_dim3A_250 = vector.broadcast %jit3A_249 : f32 to vector<256x512xf32>
    %select_n3A_251 = arith.select %eq3A_245, %broadcast_in_dim3A_250, %select_n3A_223 : vector<256x512xi1>, vector<256x512xf32>
    %select_n3A_252 = arith.select %eq3A_245, %select_n3A_225, %select_n3A_224 : vector<256x512xi1>, vector<256x512xf32>
    %select_n3A_253 = arith.select %eq3A_245, %select_n3A_226, %select_n3A_225 : vector<256x512xi1>, vector<256x512xf32>
    %select_n3A_254 = arith.select %eq3A_245, %select_n3A_59, %select_n3A_226 : vector<256x512xi1>, vector<256x512xf32>
    %eq3A_255 = arith.constant 6 : i32
    %eq3A_256 = vector.broadcast %eq3A_255 : i32 to vector<256x16xi32>
    %eq3A_257 = arith.cmpi eq, %iota3A_65, %eq3A_256 : vector<256x16xi32>
    %broadcast_in_dim3A_258 = vector.shape_cast %broadcast_in_dim3A_243 : vector<256x1xf32> to vector<256x1xf32>
    %broadcast_in_dim3A_259 = vector.broadcast %broadcast_in_dim3A_258 : vector<256x1xf32> to vector<256x16xf32>
    %select_n3A_260 = arith.select %eq3A_257, %broadcast_in_dim3A_259, %select_n3A_232 : vector<256x16xi1>, vector<256x16xf32>
    %reduce_min3A_261 = arith.constant dense<0x7F800000> : vector<256xf32>
    %reduce_min3A_262 = vector.multi_reduction <minimumf>, %select_n3A_246, %reduce_min3A_261 [1] : vector<256x512xf32> to vector<256xf32>
    %broadcast_in_dim3A_263 = vector.shape_cast %reduce_min3A_262 : vector<256xf32> to vector<256x1xf32>
    %eq3A_264 = vector.broadcast %broadcast_in_dim3A_263 : vector<256x1xf32> to vector<256x512xf32>
    %eq3A_265 = arith.cmpf oeq, %select_n3A_246, %eq3A_264 : vector<256x512xf32>
    %jit3A_266 = arith.constant 2.048000e+03 : f32
    %broadcast_in_dim3A_267 = vector.broadcast %jit3A_266 : f32 to vector<256x512xf32>
    %select_n3A_268 = arith.select %eq3A_265, %select_n3A_252, %broadcast_in_dim3A_267 : vector<256x512xi1>, vector<256x512xf32>
    %reduce_min3A_269 = arith.constant dense<0x7F800000> : vector<256xf32>
    %reduce_min3A_270 = vector.multi_reduction <minimumf>, %select_n3A_268, %reduce_min3A_269 [1] : vector<256x512xf32> to vector<256xf32>
    %broadcast_in_dim3A_271 = vector.shape_cast %reduce_min3A_270 : vector<256xf32> to vector<256x1xf32>
    %eq3A_272 = vector.broadcast %broadcast_in_dim3A_271 : vector<256x1xf32> to vector<256x512xf32>
    %eq3A_273 = arith.cmpf oeq, %select_n3A_252, %eq3A_272 : vector<256x512xf32>
    %select_n3A_274 = arith.select %eq3A_273, %select_n3A_247, %select_n3A_246 : vector<256x512xi1>, vector<256x512xf32>
    %select_n3A_275 = arith.select %eq3A_273, %select_n3A_248, %select_n3A_247 : vector<256x512xi1>, vector<256x512xf32>
    %select_n3A_276 = arith.select %eq3A_273, %select_n3A_251, %select_n3A_248 : vector<256x512xi1>, vector<256x512xf32>
    %jit3A_277 = arith.constant 0x7F800000 : f32
    %broadcast_in_dim3A_278 = vector.broadcast %jit3A_277 : f32 to vector<256x512xf32>
    %select_n3A_279 = arith.select %eq3A_273, %broadcast_in_dim3A_278, %select_n3A_251 : vector<256x512xi1>, vector<256x512xf32>
    %select_n3A_280 = arith.select %eq3A_273, %select_n3A_253, %select_n3A_252 : vector<256x512xi1>, vector<256x512xf32>
    %select_n3A_281 = arith.select %eq3A_273, %select_n3A_254, %select_n3A_253 : vector<256x512xi1>, vector<256x512xf32>
    %select_n3A_282 = arith.select %eq3A_273, %select_n3A_59, %select_n3A_254 : vector<256x512xi1>, vector<256x512xf32>
    %eq3A_283 = arith.constant 7 : i32
    %eq3A_284 = vector.broadcast %eq3A_283 : i32 to vector<256x16xi32>
    %eq3A_285 = arith.cmpi eq, %iota3A_65, %eq3A_284 : vector<256x16xi32>
    %broadcast_in_dim3A_286 = vector.shape_cast %broadcast_in_dim3A_271 : vector<256x1xf32> to vector<256x1xf32>
    %broadcast_in_dim3A_287 = vector.broadcast %broadcast_in_dim3A_286 : vector<256x1xf32> to vector<256x16xf32>
    %select_n3A_288 = arith.select %eq3A_285, %broadcast_in_dim3A_287, %select_n3A_260 : vector<256x16xi1>, vector<256x16xf32>
    %reduce_min3A_289 = arith.constant dense<0x7F800000> : vector<256xf32>
    %reduce_min3A_290 = vector.multi_reduction <minimumf>, %select_n3A_274, %reduce_min3A_289 [1] : vector<256x512xf32> to vector<256xf32>
    %broadcast_in_dim3A_291 = vector.shape_cast %reduce_min3A_290 : vector<256xf32> to vector<256x1xf32>
    %eq3A_292 = vector.broadcast %broadcast_in_dim3A_291 : vector<256x1xf32> to vector<256x512xf32>
    %eq3A_293 = arith.cmpf oeq, %select_n3A_274, %eq3A_292 : vector<256x512xf32>
    %jit3A_294 = arith.constant 2.048000e+03 : f32
    %broadcast_in_dim3A_295 = vector.broadcast %jit3A_294 : f32 to vector<256x512xf32>
    %select_n3A_296 = arith.select %eq3A_293, %select_n3A_280, %broadcast_in_dim3A_295 : vector<256x512xi1>, vector<256x512xf32>
    %reduce_min3A_297 = arith.constant dense<0x7F800000> : vector<256xf32>
    %reduce_min3A_298 = vector.multi_reduction <minimumf>, %select_n3A_296, %reduce_min3A_297 [1] : vector<256x512xf32> to vector<256xf32>
    %broadcast_in_dim3A_299 = vector.shape_cast %reduce_min3A_298 : vector<256xf32> to vector<256x1xf32>
    %eq3A_300 = vector.broadcast %broadcast_in_dim3A_299 : vector<256x1xf32> to vector<256x512xf32>
    %eq3A_301 = arith.cmpf oeq, %select_n3A_280, %eq3A_300 : vector<256x512xf32>
    %select_n3A_302 = arith.select %eq3A_301, %select_n3A_275, %select_n3A_274 : vector<256x512xi1>, vector<256x512xf32>
    %select_n3A_303 = arith.select %eq3A_301, %select_n3A_276, %select_n3A_275 : vector<256x512xi1>, vector<256x512xf32>
    %select_n3A_304 = arith.select %eq3A_301, %select_n3A_279, %select_n3A_276 : vector<256x512xi1>, vector<256x512xf32>
    %jit3A_305 = arith.constant 0x7F800000 : f32
    %broadcast_in_dim3A_306 = vector.broadcast %jit3A_305 : f32 to vector<256x512xf32>
    %select_n3A_307 = arith.select %eq3A_301, %broadcast_in_dim3A_306, %select_n3A_279 : vector<256x512xi1>, vector<256x512xf32>
    %select_n3A_308 = arith.select %eq3A_301, %select_n3A_281, %select_n3A_280 : vector<256x512xi1>, vector<256x512xf32>
    %select_n3A_309 = arith.select %eq3A_301, %select_n3A_282, %select_n3A_281 : vector<256x512xi1>, vector<256x512xf32>
    %select_n3A_310 = arith.select %eq3A_301, %select_n3A_59, %select_n3A_282 : vector<256x512xi1>, vector<256x512xf32>
    %eq3A_311 = arith.constant 8 : i32
    %eq3A_312 = vector.broadcast %eq3A_311 : i32 to vector<256x16xi32>
    %eq3A_313 = arith.cmpi eq, %iota3A_65, %eq3A_312 : vector<256x16xi32>
    %broadcast_in_dim3A_314 = vector.shape_cast %broadcast_in_dim3A_299 : vector<256x1xf32> to vector<256x1xf32>
    %broadcast_in_dim3A_315 = vector.broadcast %broadcast_in_dim3A_314 : vector<256x1xf32> to vector<256x16xf32>
    %select_n3A_316 = arith.select %eq3A_313, %broadcast_in_dim3A_315, %select_n3A_288 : vector<256x16xi1>, vector<256x16xf32>
    %reduce_min3A_317 = arith.constant dense<0x7F800000> : vector<256xf32>
    %reduce_min3A_318 = vector.multi_reduction <minimumf>, %select_n3A_302, %reduce_min3A_317 [1] : vector<256x512xf32> to vector<256xf32>
    %broadcast_in_dim3A_319 = vector.shape_cast %reduce_min3A_318 : vector<256xf32> to vector<256x1xf32>
    %eq3A_320 = vector.broadcast %broadcast_in_dim3A_319 : vector<256x1xf32> to vector<256x512xf32>
    %eq3A_321 = arith.cmpf oeq, %select_n3A_302, %eq3A_320 : vector<256x512xf32>
    %jit3A_322 = arith.constant 2.048000e+03 : f32
    %broadcast_in_dim3A_323 = vector.broadcast %jit3A_322 : f32 to vector<256x512xf32>
    %select_n3A_324 = arith.select %eq3A_321, %select_n3A_308, %broadcast_in_dim3A_323 : vector<256x512xi1>, vector<256x512xf32>
    %reduce_min3A_325 = arith.constant dense<0x7F800000> : vector<256xf32>
    %reduce_min3A_326 = vector.multi_reduction <minimumf>, %select_n3A_324, %reduce_min3A_325 [1] : vector<256x512xf32> to vector<256xf32>
    %broadcast_in_dim3A_327 = vector.shape_cast %reduce_min3A_326 : vector<256xf32> to vector<256x1xf32>
    %eq3A_328 = vector.broadcast %broadcast_in_dim3A_327 : vector<256x1xf32> to vector<256x512xf32>
    %eq3A_329 = arith.cmpf oeq, %select_n3A_308, %eq3A_328 : vector<256x512xf32>
    %select_n3A_330 = arith.select %eq3A_329, %select_n3A_303, %select_n3A_302 : vector<256x512xi1>, vector<256x512xf32>
    %select_n3A_331 = arith.select %eq3A_329, %select_n3A_304, %select_n3A_303 : vector<256x512xi1>, vector<256x512xf32>
    %select_n3A_332 = arith.select %eq3A_329, %select_n3A_307, %select_n3A_304 : vector<256x512xi1>, vector<256x512xf32>
    %jit3A_333 = arith.constant 0x7F800000 : f32
    %broadcast_in_dim3A_334 = vector.broadcast %jit3A_333 : f32 to vector<256x512xf32>
    %select_n3A_335 = arith.select %eq3A_329, %broadcast_in_dim3A_334, %select_n3A_307 : vector<256x512xi1>, vector<256x512xf32>
    %select_n3A_336 = arith.select %eq3A_329, %select_n3A_309, %select_n3A_308 : vector<256x512xi1>, vector<256x512xf32>
    %select_n3A_337 = arith.select %eq3A_329, %select_n3A_310, %select_n3A_309 : vector<256x512xi1>, vector<256x512xf32>
    %select_n3A_338 = arith.select %eq3A_329, %select_n3A_59, %select_n3A_310 : vector<256x512xi1>, vector<256x512xf32>
    %eq3A_339 = arith.constant 9 : i32
    %eq3A_340 = vector.broadcast %eq3A_339 : i32 to vector<256x16xi32>
    %eq3A_341 = arith.cmpi eq, %iota3A_65, %eq3A_340 : vector<256x16xi32>
    %broadcast_in_dim3A_342 = vector.shape_cast %broadcast_in_dim3A_327 : vector<256x1xf32> to vector<256x1xf32>
    %broadcast_in_dim3A_343 = vector.broadcast %broadcast_in_dim3A_342 : vector<256x1xf32> to vector<256x16xf32>
    %select_n3A_344 = arith.select %eq3A_341, %broadcast_in_dim3A_343, %select_n3A_316 : vector<256x16xi1>, vector<256x16xf32>
    %reduce_min3A_345 = arith.constant dense<0x7F800000> : vector<256xf32>
    %reduce_min3A_346 = vector.multi_reduction <minimumf>, %select_n3A_330, %reduce_min3A_345 [1] : vector<256x512xf32> to vector<256xf32>
    %broadcast_in_dim3A_347 = vector.shape_cast %reduce_min3A_346 : vector<256xf32> to vector<256x1xf32>
    %eq3A_348 = vector.broadcast %broadcast_in_dim3A_347 : vector<256x1xf32> to vector<256x512xf32>
    %eq3A_349 = arith.cmpf oeq, %select_n3A_330, %eq3A_348 : vector<256x512xf32>
    %jit3A_350 = arith.constant 2.048000e+03 : f32
    %broadcast_in_dim3A_351 = vector.broadcast %jit3A_350 : f32 to vector<256x512xf32>
    %select_n3A_352 = arith.select %eq3A_349, %select_n3A_336, %broadcast_in_dim3A_351 : vector<256x512xi1>, vector<256x512xf32>
    %reduce_min3A_353 = arith.constant dense<0x7F800000> : vector<256xf32>
    %reduce_min3A_354 = vector.multi_reduction <minimumf>, %select_n3A_352, %reduce_min3A_353 [1] : vector<256x512xf32> to vector<256xf32>
    %broadcast_in_dim3A_355 = vector.shape_cast %reduce_min3A_354 : vector<256xf32> to vector<256x1xf32>
    %eq3A_356 = vector.broadcast %broadcast_in_dim3A_355 : vector<256x1xf32> to vector<256x512xf32>
    %eq3A_357 = arith.cmpf oeq, %select_n3A_336, %eq3A_356 : vector<256x512xf32>
    %select_n3A_358 = arith.select %eq3A_357, %select_n3A_331, %select_n3A_330 : vector<256x512xi1>, vector<256x512xf32>
    %select_n3A_359 = arith.select %eq3A_357, %select_n3A_332, %select_n3A_331 : vector<256x512xi1>, vector<256x512xf32>
    %select_n3A_360 = arith.select %eq3A_357, %select_n3A_335, %select_n3A_332 : vector<256x512xi1>, vector<256x512xf32>
    %jit3A_361 = arith.constant 0x7F800000 : f32
    %broadcast_in_dim3A_362 = vector.broadcast %jit3A_361 : f32 to vector<256x512xf32>
    %select_n3A_363 = arith.select %eq3A_357, %broadcast_in_dim3A_362, %select_n3A_335 : vector<256x512xi1>, vector<256x512xf32>
    %select_n3A_364 = arith.select %eq3A_357, %select_n3A_337, %select_n3A_336 : vector<256x512xi1>, vector<256x512xf32>
    %select_n3A_365 = arith.select %eq3A_357, %select_n3A_338, %select_n3A_337 : vector<256x512xi1>, vector<256x512xf32>
    %select_n3A_366 = arith.select %eq3A_357, %select_n3A_59, %select_n3A_338 : vector<256x512xi1>, vector<256x512xf32>
    %eq3A_367 = arith.constant 10 : i32
    %eq3A_368 = vector.broadcast %eq3A_367 : i32 to vector<256x16xi32>
    %eq3A_369 = arith.cmpi eq, %iota3A_65, %eq3A_368 : vector<256x16xi32>
    %broadcast_in_dim3A_370 = vector.shape_cast %broadcast_in_dim3A_355 : vector<256x1xf32> to vector<256x1xf32>
    %broadcast_in_dim3A_371 = vector.broadcast %broadcast_in_dim3A_370 : vector<256x1xf32> to vector<256x16xf32>
    %select_n3A_372 = arith.select %eq3A_369, %broadcast_in_dim3A_371, %select_n3A_344 : vector<256x16xi1>, vector<256x16xf32>
    %reduce_min3A_373 = arith.constant dense<0x7F800000> : vector<256xf32>
    %reduce_min3A_374 = vector.multi_reduction <minimumf>, %select_n3A_358, %reduce_min3A_373 [1] : vector<256x512xf32> to vector<256xf32>
    %broadcast_in_dim3A_375 = vector.shape_cast %reduce_min3A_374 : vector<256xf32> to vector<256x1xf32>
    %eq3A_376 = vector.broadcast %broadcast_in_dim3A_375 : vector<256x1xf32> to vector<256x512xf32>
    %eq3A_377 = arith.cmpf oeq, %select_n3A_358, %eq3A_376 : vector<256x512xf32>
    %jit3A_378 = arith.constant 2.048000e+03 : f32
    %broadcast_in_dim3A_379 = vector.broadcast %jit3A_378 : f32 to vector<256x512xf32>
    %select_n3A_380 = arith.select %eq3A_377, %select_n3A_364, %broadcast_in_dim3A_379 : vector<256x512xi1>, vector<256x512xf32>
    %reduce_min3A_381 = arith.constant dense<0x7F800000> : vector<256xf32>
    %reduce_min3A_382 = vector.multi_reduction <minimumf>, %select_n3A_380, %reduce_min3A_381 [1] : vector<256x512xf32> to vector<256xf32>
    %broadcast_in_dim3A_383 = vector.shape_cast %reduce_min3A_382 : vector<256xf32> to vector<256x1xf32>
    %eq3A_384 = vector.broadcast %broadcast_in_dim3A_383 : vector<256x1xf32> to vector<256x512xf32>
    %eq3A_385 = arith.cmpf oeq, %select_n3A_364, %eq3A_384 : vector<256x512xf32>
    %select_n3A_386 = arith.select %eq3A_385, %select_n3A_359, %select_n3A_358 : vector<256x512xi1>, vector<256x512xf32>
    %select_n3A_387 = arith.select %eq3A_385, %select_n3A_360, %select_n3A_359 : vector<256x512xi1>, vector<256x512xf32>
    %select_n3A_388 = arith.select %eq3A_385, %select_n3A_363, %select_n3A_360 : vector<256x512xi1>, vector<256x512xf32>
    %jit3A_389 = arith.constant 0x7F800000 : f32
    %broadcast_in_dim3A_390 = vector.broadcast %jit3A_389 : f32 to vector<256x512xf32>
    %select_n3A_391 = arith.select %eq3A_385, %broadcast_in_dim3A_390, %select_n3A_363 : vector<256x512xi1>, vector<256x512xf32>
    %select_n3A_392 = arith.select %eq3A_385, %select_n3A_365, %select_n3A_364 : vector<256x512xi1>, vector<256x512xf32>
    %select_n3A_393 = arith.select %eq3A_385, %select_n3A_366, %select_n3A_365 : vector<256x512xi1>, vector<256x512xf32>
    %select_n3A_394 = arith.select %eq3A_385, %select_n3A_59, %select_n3A_366 : vector<256x512xi1>, vector<256x512xf32>
    %eq3A_395 = arith.constant 11 : i32
    %eq3A_396 = vector.broadcast %eq3A_395 : i32 to vector<256x16xi32>
    %eq3A_397 = arith.cmpi eq, %iota3A_65, %eq3A_396 : vector<256x16xi32>
    %broadcast_in_dim3A_398 = vector.shape_cast %broadcast_in_dim3A_383 : vector<256x1xf32> to vector<256x1xf32>
    %broadcast_in_dim3A_399 = vector.broadcast %broadcast_in_dim3A_398 : vector<256x1xf32> to vector<256x16xf32>
    %select_n3A_400 = arith.select %eq3A_397, %broadcast_in_dim3A_399, %select_n3A_372 : vector<256x16xi1>, vector<256x16xf32>
    %reduce_min3A_401 = arith.constant dense<0x7F800000> : vector<256xf32>
    %reduce_min3A_402 = vector.multi_reduction <minimumf>, %select_n3A_386, %reduce_min3A_401 [1] : vector<256x512xf32> to vector<256xf32>
    %broadcast_in_dim3A_403 = vector.shape_cast %reduce_min3A_402 : vector<256xf32> to vector<256x1xf32>
    %eq3A_404 = vector.broadcast %broadcast_in_dim3A_403 : vector<256x1xf32> to vector<256x512xf32>
    %eq3A_405 = arith.cmpf oeq, %select_n3A_386, %eq3A_404 : vector<256x512xf32>
    %jit3A_406 = arith.constant 2.048000e+03 : f32
    %broadcast_in_dim3A_407 = vector.broadcast %jit3A_406 : f32 to vector<256x512xf32>
    %select_n3A_408 = arith.select %eq3A_405, %select_n3A_392, %broadcast_in_dim3A_407 : vector<256x512xi1>, vector<256x512xf32>
    %reduce_min3A_409 = arith.constant dense<0x7F800000> : vector<256xf32>
    %reduce_min3A_410 = vector.multi_reduction <minimumf>, %select_n3A_408, %reduce_min3A_409 [1] : vector<256x512xf32> to vector<256xf32>
    %broadcast_in_dim3A_411 = vector.shape_cast %reduce_min3A_410 : vector<256xf32> to vector<256x1xf32>
    %eq3A_412 = vector.broadcast %broadcast_in_dim3A_411 : vector<256x1xf32> to vector<256x512xf32>
    %eq3A_413 = arith.cmpf oeq, %select_n3A_392, %eq3A_412 : vector<256x512xf32>
    %select_n3A_414 = arith.select %eq3A_413, %select_n3A_387, %select_n3A_386 : vector<256x512xi1>, vector<256x512xf32>
    %select_n3A_415 = arith.select %eq3A_413, %select_n3A_388, %select_n3A_387 : vector<256x512xi1>, vector<256x512xf32>
    %select_n3A_416 = arith.select %eq3A_413, %select_n3A_391, %select_n3A_388 : vector<256x512xi1>, vector<256x512xf32>
    %select_n3A_417 = arith.select %eq3A_413, %select_n3A_393, %select_n3A_392 : vector<256x512xi1>, vector<256x512xf32>
    %select_n3A_418 = arith.select %eq3A_413, %select_n3A_394, %select_n3A_393 : vector<256x512xi1>, vector<256x512xf32>
    %select_n3A_419 = arith.select %eq3A_413, %select_n3A_59, %select_n3A_394 : vector<256x512xi1>, vector<256x512xf32>
    %eq3A_420 = arith.constant 12 : i32
    %eq3A_421 = vector.broadcast %eq3A_420 : i32 to vector<256x16xi32>
    %eq3A_422 = arith.cmpi eq, %iota3A_65, %eq3A_421 : vector<256x16xi32>
    %broadcast_in_dim3A_423 = vector.shape_cast %broadcast_in_dim3A_411 : vector<256x1xf32> to vector<256x1xf32>
    %broadcast_in_dim3A_424 = vector.broadcast %broadcast_in_dim3A_423 : vector<256x1xf32> to vector<256x16xf32>
    %select_n3A_425 = arith.select %eq3A_422, %broadcast_in_dim3A_424, %select_n3A_400 : vector<256x16xi1>, vector<256x16xf32>
    %reduce_min3A_426 = arith.constant dense<0x7F800000> : vector<256xf32>
    %reduce_min3A_427 = vector.multi_reduction <minimumf>, %select_n3A_414, %reduce_min3A_426 [1] : vector<256x512xf32> to vector<256xf32>
    %broadcast_in_dim3A_428 = vector.shape_cast %reduce_min3A_427 : vector<256xf32> to vector<256x1xf32>
    %eq3A_429 = vector.broadcast %broadcast_in_dim3A_428 : vector<256x1xf32> to vector<256x512xf32>
    %eq3A_430 = arith.cmpf oeq, %select_n3A_414, %eq3A_429 : vector<256x512xf32>
    %jit3A_431 = arith.constant 2.048000e+03 : f32
    %broadcast_in_dim3A_432 = vector.broadcast %jit3A_431 : f32 to vector<256x512xf32>
    %select_n3A_433 = arith.select %eq3A_430, %select_n3A_417, %broadcast_in_dim3A_432 : vector<256x512xi1>, vector<256x512xf32>
    %reduce_min3A_434 = arith.constant dense<0x7F800000> : vector<256xf32>
    %reduce_min3A_435 = vector.multi_reduction <minimumf>, %select_n3A_433, %reduce_min3A_434 [1] : vector<256x512xf32> to vector<256xf32>
    %broadcast_in_dim3A_436 = vector.shape_cast %reduce_min3A_435 : vector<256xf32> to vector<256x1xf32>
    %eq3A_437 = vector.broadcast %broadcast_in_dim3A_436 : vector<256x1xf32> to vector<256x512xf32>
    %eq3A_438 = arith.cmpf oeq, %select_n3A_417, %eq3A_437 : vector<256x512xf32>
    %select_n3A_439 = arith.select %eq3A_438, %select_n3A_415, %select_n3A_414 : vector<256x512xi1>, vector<256x512xf32>
    %select_n3A_440 = arith.select %eq3A_438, %select_n3A_416, %select_n3A_415 : vector<256x512xi1>, vector<256x512xf32>
    %select_n3A_441 = arith.select %eq3A_438, %select_n3A_418, %select_n3A_417 : vector<256x512xi1>, vector<256x512xf32>
    %select_n3A_442 = arith.select %eq3A_438, %select_n3A_419, %select_n3A_418 : vector<256x512xi1>, vector<256x512xf32>
    %eq3A_443 = arith.constant 13 : i32
    %eq3A_444 = vector.broadcast %eq3A_443 : i32 to vector<256x16xi32>
    %eq3A_445 = arith.cmpi eq, %iota3A_65, %eq3A_444 : vector<256x16xi32>
    %broadcast_in_dim3A_446 = vector.shape_cast %broadcast_in_dim3A_436 : vector<256x1xf32> to vector<256x1xf32>
    %broadcast_in_dim3A_447 = vector.broadcast %broadcast_in_dim3A_446 : vector<256x1xf32> to vector<256x16xf32>
    %select_n3A_448 = arith.select %eq3A_445, %broadcast_in_dim3A_447, %select_n3A_425 : vector<256x16xi1>, vector<256x16xf32>
    %reduce_min3A_449 = arith.constant dense<0x7F800000> : vector<256xf32>
    %reduce_min3A_450 = vector.multi_reduction <minimumf>, %select_n3A_439, %reduce_min3A_449 [1] : vector<256x512xf32> to vector<256xf32>
    %broadcast_in_dim3A_451 = vector.shape_cast %reduce_min3A_450 : vector<256xf32> to vector<256x1xf32>
    %eq3A_452 = vector.broadcast %broadcast_in_dim3A_451 : vector<256x1xf32> to vector<256x512xf32>
    %eq3A_453 = arith.cmpf oeq, %select_n3A_439, %eq3A_452 : vector<256x512xf32>
    %jit3A_454 = arith.constant 2.048000e+03 : f32
    %broadcast_in_dim3A_455 = vector.broadcast %jit3A_454 : f32 to vector<256x512xf32>
    %select_n3A_456 = arith.select %eq3A_453, %select_n3A_441, %broadcast_in_dim3A_455 : vector<256x512xi1>, vector<256x512xf32>
    %reduce_min3A_457 = arith.constant dense<0x7F800000> : vector<256xf32>
    %reduce_min3A_458 = vector.multi_reduction <minimumf>, %select_n3A_456, %reduce_min3A_457 [1] : vector<256x512xf32> to vector<256xf32>
    %broadcast_in_dim3A_459 = vector.shape_cast %reduce_min3A_458 : vector<256xf32> to vector<256x1xf32>
    %eq3A_460 = vector.broadcast %broadcast_in_dim3A_459 : vector<256x1xf32> to vector<256x512xf32>
    %eq3A_461 = arith.cmpf oeq, %select_n3A_441, %eq3A_460 : vector<256x512xf32>
    %select_n3A_462 = arith.select %eq3A_461, %select_n3A_440, %select_n3A_439 : vector<256x512xi1>, vector<256x512xf32>
    %select_n3A_463 = arith.select %eq3A_461, %select_n3A_442, %select_n3A_441 : vector<256x512xi1>, vector<256x512xf32>
    %eq3A_464 = arith.constant 14 : i32
    %eq3A_465 = vector.broadcast %eq3A_464 : i32 to vector<256x16xi32>
    %eq3A_466 = arith.cmpi eq, %iota3A_65, %eq3A_465 : vector<256x16xi32>
    %broadcast_in_dim3A_467 = vector.shape_cast %broadcast_in_dim3A_459 : vector<256x1xf32> to vector<256x1xf32>
    %broadcast_in_dim3A_468 = vector.broadcast %broadcast_in_dim3A_467 : vector<256x1xf32> to vector<256x16xf32>
    %select_n3A_469 = arith.select %eq3A_466, %broadcast_in_dim3A_468, %select_n3A_448 : vector<256x16xi1>, vector<256x16xf32>
    %reduce_min3A_470 = arith.constant dense<0x7F800000> : vector<256xf32>
    %reduce_min3A_471 = vector.multi_reduction <minimumf>, %select_n3A_462, %reduce_min3A_470 [1] : vector<256x512xf32> to vector<256xf32>
    %broadcast_in_dim3A_472 = vector.shape_cast %reduce_min3A_471 : vector<256xf32> to vector<256x1xf32>
    %eq3A_473 = vector.broadcast %broadcast_in_dim3A_472 : vector<256x1xf32> to vector<256x512xf32>
    %eq3A_474 = arith.cmpf oeq, %select_n3A_462, %eq3A_473 : vector<256x512xf32>
    %jit3A_475 = arith.constant 2.048000e+03 : f32
    %broadcast_in_dim3A_476 = vector.broadcast %jit3A_475 : f32 to vector<256x512xf32>
    %select_n3A_477 = arith.select %eq3A_474, %select_n3A_463, %broadcast_in_dim3A_476 : vector<256x512xi1>, vector<256x512xf32>
    %reduce_min3A_478 = arith.constant dense<0x7F800000> : vector<256xf32>
    %reduce_min3A_479 = vector.multi_reduction <minimumf>, %select_n3A_477, %reduce_min3A_478 [1] : vector<256x512xf32> to vector<256xf32>
    %broadcast_in_dim3A_480 = vector.shape_cast %reduce_min3A_479 : vector<256xf32> to vector<256x1xf32>
    %eq3A_481 = arith.constant 15 : i32
    %eq3A_482 = vector.broadcast %eq3A_481 : i32 to vector<256x16xi32>
    %eq3A_483 = arith.cmpi eq, %iota3A_65, %eq3A_482 : vector<256x16xi32>
    %broadcast_in_dim3A_484 = vector.shape_cast %broadcast_in_dim3A_480 : vector<256x1xf32> to vector<256x1xf32>
    %broadcast_in_dim3A_485 = vector.broadcast %broadcast_in_dim3A_484 : vector<256x1xf32> to vector<256x16xf32>
    %select_n3A_486 = arith.select %eq3A_483, %broadcast_in_dim3A_485, %select_n3A_469 : vector<256x16xi1>, vector<256x16xf32>
    %transpose3A = tpu.transpose %select_n3A_486, [1, 0] : vector<256x16xf32> -> vector<16x256xf32>
    %convert_element_type3A_487 = arith.fptosi %transpose3A : vector<16x256xf32> to vector<16x256xi32>
    %mul3A_488 = arith.constant 2048 : i32
    %mul3A_489 = arith.muli %add3A_0, %mul3A_488 : i32
    %add3A_490 = vector.broadcast %mul3A_489 : i32 to vector<16x256xi32>
    %add3A_491 = arith.addi %convert_element_type3A_487, %add3A_490 : vector<16x256xi32>
    %swap3A = arith.constant 0 : index
    %swap3A_492 = arith.constant 0 : index
    %swap3A_493 = arith.constant 0 : index
    %swap3A_494 = arith.constant 0 : index
    %swap3A_495 = vector.load %arg4[%swap3A, %swap3A_492, %swap3A_493, %swap3A_494] : memref<1x1x16x256xi32, #tpu.memory_space<vmem>>, vector<1x1x16x256xi32>
    %swap3A_496 = vector.shape_cast %swap3A_495 : vector<1x1x16x256xi32> to vector<16x256xi32>
    %swap3A_497 = vector.shape_cast %add3A_491 : vector<16x256xi32> to vector<1x1x16x256xi32>
    tpu.vector_store %arg4[%swap3A, %swap3A_492, %swap3A_493, %swap3A_494], %swap3A_497 {strides = array<i32>} : memref<1x1x16x256xi32, #tpu.memory_space<vmem>>, vector<1x1x16x256xi32>,
    return
  }
  func.func @transform_0(%arg0: i32, %arg1: i32) -> (i32, i32, i32) {
    %c0_i32 = arith.constant 0 : i32
    %c0_i32_0 = arith.constant 0 : i32
    return %arg0, %arg1, %c0_i32 : i32, i32, i32
  }
  func.func @transform_1(%arg0: i32, %arg1: i32) -> (i32, i32, i32) {
    %c0_i32 = arith.constant 0 : i32
    %c0_i32_0 = arith.constant 0 : i32
    %c0_i32_1 = arith.constant 0 : i32
    return %arg0, %c0_i32, %c0_i32_0 : i32, i32, i32
  }
  func.func @transform_2(%arg0: i32, %arg1: i32) -> (i32, i32, i32, i32) {
    %c0_i32 = arith.constant 0 : i32
    %c0_i32_0 = arith.constant 0 : i32
    %c0_i32_1 = arith.constant 0 : i32
    return %arg0, %arg1, %c0_i32, %c0_i32_0 : i32, i32, i32, i32
  }
}

module attributes {stable_mosaic.version = 14 : i64} {
  func.func @_relmlp_body(%arg0: i32, %arg1: memref<1x4096x128xf32, #tpu.memory_space<vmem>>, %arg2: memref<1x3x256xf32, #tpu.memory_space<vmem>>, %arg3: memref<32x3xf32, #tpu.memory_space<vmem>>, %arg4: memref<32x3xf32, #tpu.memory_space<vmem>>, %arg5: memref<32x3xf32, #tpu.memory_space<vmem>>, %arg6: memref<32x1xf32, #tpu.memory_space<vmem>>, %arg7: memref<32x1xf32, #tpu.memory_space<vmem>>, %arg8: memref<128x32xf32, #tpu.memory_space<vmem>>, %arg9: memref<128x1xf32, #tpu.memory_space<vmem>>, %arg10: memref<128x128xf32, #tpu.memory_space<vmem>>, %arg11: memref<128x1xf32, #tpu.memory_space<vmem>>, %arg12: memref<128x128xf32, #tpu.memory_space<vmem>>, %arg13: memref<128x1xf32, #tpu.memory_space<vmem>>, %arg14: memref<1x128x256xf32, #tpu.memory_space<vmem>>, %arg15: memref<128x8xf32, #tpu.memory_space<vmem>>) attributes {dimension_semantics = [#tpu.dimension_semantics<arbitrary>], iteration_bounds = array<i64: 32>, scalar_prefetch = 0 : i64, scratch_operands = 0 : i64, tpu.core_type = #tpu.core_type<tc>, window_params = [{transform_indices = @transform_0, window_bounds = array<i64: 1, 4096, 128>}, {transform_indices = @transform_1, window_bounds = array<i64: 1, 3, 256>}, {pipeline_mode = #tpu.pipeline_mode<synchronous>, transform_indices = @transform_2, window_bounds = array<i64: 32, 3>}, {pipeline_mode = #tpu.pipeline_mode<synchronous>, transform_indices = @transform_3, window_bounds = array<i64: 32, 3>}, {pipeline_mode = #tpu.pipeline_mode<synchronous>, transform_indices = @transform_4, window_bounds = array<i64: 32, 3>}, {pipeline_mode = #tpu.pipeline_mode<synchronous>, transform_indices = @transform_5, window_bounds = array<i64: 32, 1>}, {pipeline_mode = #tpu.pipeline_mode<synchronous>, transform_indices = @transform_6, window_bounds = array<i64: 32, 1>}, {pipeline_mode = #tpu.pipeline_mode<synchronous>, transform_indices = @transform_7, window_bounds = array<i64: 128, 32>}, {pipeline_mode = #tpu.pipeline_mode<synchronous>, transform_indices = @transform_8, window_bounds = array<i64: 128, 1>}, {pipeline_mode = #tpu.pipeline_mode<synchronous>, transform_indices = @transform_9, window_bounds = array<i64: 128, 128>}, {pipeline_mode = #tpu.pipeline_mode<synchronous>, transform_indices = @transform_10, window_bounds = array<i64: 128, 1>}, {pipeline_mode = #tpu.pipeline_mode<synchronous>, transform_indices = @transform_11, window_bounds = array<i64: 128, 128>}, {pipeline_mode = #tpu.pipeline_mode<synchronous>, transform_indices = @transform_12, window_bounds = array<i64: 128, 1>}, {transform_indices = @transform_13, window_bounds = array<i64: 1, 128, 256>}, {pipeline_mode = #tpu.pipeline_mode<synchronous>, transform_indices = @transform_14, window_bounds = array<i64: 128, 8>}]} {
    %get3A = arith.constant 0 : index
    %get3A_0 = arith.constant 0 : index
    %get3A_1 = arith.constant 0 : index
    %get3A_2 = vector.load %arg1[%get3A, %get3A_0, %get3A_1] : memref<1x4096x128xf32, #tpu.memory_space<vmem>>, vector<1x4096x128xf32>
    %get3A_3 = vector.shape_cast %get3A_2 : vector<1x4096x128xf32> to vector<4096x128xf32>
    %transpose3A = tpu.transpose %get3A_3, [1, 0] : vector<4096x128xf32> -> vector<128x4096xf32>
    %get3A_4 = arith.constant 0 : index
    %get3A_5 = arith.constant 0 : index
    %get3A_6 = arith.constant 0 : index
    %get3A_7 = vector.load %arg2[%get3A_4, %get3A_5, %get3A_6] : memref<1x3x256xf32, #tpu.memory_space<vmem>>, vector<1x3x256xf32>
    %get3A_8 = vector.shape_cast %get3A_7 : vector<1x3x256xf32> to vector<3x256xf32>
    %slice3A = vector.extract_strided_slice %transpose3A {offsets = [0, 0], sizes = [3, 4096], strides = [1, 1]} : vector<128x4096xf32> to vector<3x4096xf32>
    %concatenate3A = tpu.concatenate %get3A_8, %get3A_8, %get3A_8, %get3A_8, %get3A_8, %get3A_8, %get3A_8, %get3A_8, %get3A_8, %get3A_8, %get3A_8, %get3A_8, %get3A_8, %get3A_8, %get3A_8, %get3A_8 in 1 : vector<3x256xf32>, vector<3x256xf32>, vector<3x256xf32>, vector<3x256xf32>, vector<3x256xf32>, vector<3x256xf32>, vector<3x256xf32>, vector<3x256xf32>, vector<3x256xf32>, vector<3x256xf32>, vector<3x256xf32>, vector<3x256xf32>, vector<3x256xf32>, vector<3x256xf32>, vector<3x256xf32>, vector<3x256xf32> -> vector<3x4096xf32>
    %sub3A = arith.subf %slice3A, %concatenate3A : vector<3x4096xf32>
    %slice3A_9 = vector.extract_strided_slice %sub3A {offsets = [0, 0], sizes = [1, 4096], strides = [1, 1]} : vector<3x4096xf32> to vector<1x4096xf32>
    %slice3A_10 = vector.extract_strided_slice %sub3A {offsets = [0, 0], sizes = [1, 4096], strides = [1, 1]} : vector<3x4096xf32> to vector<1x4096xf32>
    %mul3A = arith.mulf %slice3A_9, %slice3A_10 : vector<1x4096xf32>
    %slice3A_11 = vector.extract_strided_slice %sub3A {offsets = [1, 0], sizes = [1, 4096], strides = [1, 1]} : vector<3x4096xf32> to vector<1x4096xf32>
    %slice3A_12 = vector.extract_strided_slice %sub3A {offsets = [1, 0], sizes = [1, 4096], strides = [1, 1]} : vector<3x4096xf32> to vector<1x4096xf32>
    %mul3A_13 = arith.mulf %slice3A_11, %slice3A_12 : vector<1x4096xf32>
    %add3A = arith.addf %mul3A, %mul3A_13 : vector<1x4096xf32>
    %slice3A_14 = vector.extract_strided_slice %sub3A {offsets = [2, 0], sizes = [1, 4096], strides = [1, 1]} : vector<3x4096xf32> to vector<1x4096xf32>
    %slice3A_15 = vector.extract_strided_slice %sub3A {offsets = [2, 0], sizes = [1, 4096], strides = [1, 1]} : vector<3x4096xf32> to vector<1x4096xf32>
    %mul3A_16 = arith.mulf %slice3A_14, %slice3A_15 : vector<1x4096xf32>
    %add3A_17 = arith.addf %add3A, %mul3A_16 : vector<1x4096xf32>
    %add3A_18 = arith.constant 9.99999996E-13 : f32
    %add3A_19 = vector.broadcast %add3A_18 : f32 to vector<1x4096xf32>
    %add3A_20 = arith.addf %add3A_17, %add3A_19 : vector<1x4096xf32>
    %sqrt3A = math.sqrt %add3A_20 : vector<1x4096xf32>
    %get3A_21 = arith.constant 0 : index
    %get3A_22 = arith.constant 0 : index
    %get3A_23 = vector.load %arg3[%get3A_21, %get3A_22] : memref<32x3xf32, #tpu.memory_space<vmem>>, vector<32x3xf32>
    %convert_element_type3A = arith.truncf %get3A_23 : vector<32x3xf32> to vector<32x3xbf16>
    %convert_element_type3A_24 = arith.truncf %get3A_8 : vector<3x256xf32> to vector<3x256xbf16>
    %dot_general3A = arith.constant dense<0.000000e+00> : vector<32x256xf32>
    %dot_general3A_25 = tpu.matmul %convert_element_type3A, %convert_element_type3A_24, %dot_general3A {dimension_numbers = #tpu.dot_dimension_numbers<[1], [0], [0], [1], [0, 0, 1, 1], [], []>, transpose_lhs_hint = false} : vector<32x3xbf16>, vector<3x256xbf16>, vector<32x256xf32> -> vector<32x256xf32>
    %concatenate3A_26 = tpu.concatenate %dot_general3A_25, %dot_general3A_25, %dot_general3A_25, %dot_general3A_25, %dot_general3A_25, %dot_general3A_25, %dot_general3A_25, %dot_general3A_25, %dot_general3A_25, %dot_general3A_25, %dot_general3A_25, %dot_general3A_25, %dot_general3A_25, %dot_general3A_25, %dot_general3A_25, %dot_general3A_25 in 1 : vector<32x256xf32>, vector<32x256xf32>, vector<32x256xf32>, vector<32x256xf32>, vector<32x256xf32>, vector<32x256xf32>, vector<32x256xf32>, vector<32x256xf32>, vector<32x256xf32>, vector<32x256xf32>, vector<32x256xf32>, vector<32x256xf32>, vector<32x256xf32>, vector<32x256xf32>, vector<32x256xf32>, vector<32x256xf32> -> vector<32x4096xf32>
    %get3A_27 = arith.constant 0 : index
    %get3A_28 = arith.constant 0 : index
    %get3A_29 = vector.load %arg4[%get3A_27, %get3A_28] : memref<32x3xf32, #tpu.memory_space<vmem>>, vector<32x3xf32>
    %convert_element_type3A_30 = arith.truncf %get3A_29 : vector<32x3xf32> to vector<32x3xbf16>
    %convert_element_type3A_31 = arith.truncf %slice3A : vector<3x4096xf32> to vector<3x4096xbf16>
    %dot_general3A_32 = arith.constant dense<0.000000e+00> : vector<32x4096xf32>
    %dot_general3A_33 = tpu.matmul %convert_element_type3A_30, %convert_element_type3A_31, %dot_general3A_32 {dimension_numbers = #tpu.dot_dimension_numbers<[1], [0], [0], [1], [0, 0, 1, 1], [], []>, transpose_lhs_hint = false} : vector<32x3xbf16>, vector<3x4096xbf16>, vector<32x4096xf32> -> vector<32x4096xf32>
    %get3A_34 = arith.constant 0 : index
    %get3A_35 = arith.constant 0 : index
    %get3A_36 = vector.load %arg5[%get3A_34, %get3A_35] : memref<32x3xf32, #tpu.memory_space<vmem>>, vector<32x3xf32>
    %convert_element_type3A_37 = arith.truncf %get3A_36 : vector<32x3xf32> to vector<32x3xbf16>
    %convert_element_type3A_38 = arith.truncf %sub3A : vector<3x4096xf32> to vector<3x4096xbf16>
    %dot_general3A_39 = arith.constant dense<0.000000e+00> : vector<32x4096xf32>
    %dot_general3A_40 = tpu.matmul %convert_element_type3A_37, %convert_element_type3A_38, %dot_general3A_39 {dimension_numbers = #tpu.dot_dimension_numbers<[1], [0], [0], [1], [0, 0, 1, 1], [], []>, transpose_lhs_hint = false} : vector<32x3xbf16>, vector<3x4096xbf16>, vector<32x4096xf32> -> vector<32x4096xf32>
    %get3A_41 = arith.constant 0 : index
    %get3A_42 = arith.constant 0 : index
    %get3A_43 = vector.load %arg6[%get3A_41, %get3A_42] : memref<32x1xf32, #tpu.memory_space<vmem>>, vector<32x1xf32>
    %convert_element_type3A_44 = arith.truncf %get3A_43 : vector<32x1xf32> to vector<32x1xbf16>
    %convert_element_type3A_45 = arith.extf %convert_element_type3A_44 : vector<32x1xbf16> to vector<32x1xf32>
    %convert_element_type3A_46 = arith.truncf %sqrt3A : vector<1x4096xf32> to vector<1x4096xbf16>
    %convert_element_type3A_47 = arith.extf %convert_element_type3A_46 : vector<1x4096xbf16> to vector<1x4096xf32>
    %mul3A_48 = vector.broadcast %convert_element_type3A_45 : vector<32x1xf32> to vector<32x4096xf32>
    %mul3A_49 = vector.broadcast %convert_element_type3A_47 : vector<1x4096xf32> to vector<32x4096xf32>
    %mul3A_50 = arith.mulf %mul3A_48, %mul3A_49 : vector<32x4096xf32>
    %add3A_51 = arith.addf %concatenate3A_26, %dot_general3A_33 : vector<32x4096xf32>
    %add3A_52 = arith.addf %add3A_51, %dot_general3A_40 : vector<32x4096xf32>
    %add3A_53 = arith.addf %add3A_52, %mul3A_50 : vector<32x4096xf32>
    %get3A_54 = arith.constant 0 : index
    %get3A_55 = arith.constant 0 : index
    %get3A_56 = vector.load %arg7[%get3A_54, %get3A_55] : memref<32x1xf32, #tpu.memory_space<vmem>>, vector<32x1xf32>
    %add3A_57 = vector.broadcast %get3A_56 : vector<32x1xf32> to vector<32x4096xf32>
    %add3A_58 = arith.addf %add3A_53, %add3A_57 : vector<32x4096xf32>
    %max3A = arith.constant 0.000000e+00 : f32
    %max3A_59 = vector.broadcast %max3A : f32 to vector<32x4096xf32>
    %max3A_60 = arith.maximumf %add3A_58, %max3A_59 : vector<32x4096xf32>
    %get3A_61 = arith.constant 0 : index
    %get3A_62 = arith.constant 0 : index
    %get3A_63 = vector.load %arg8[%get3A_61, %get3A_62] : memref<128x32xf32, #tpu.memory_space<vmem>>, vector<128x32xf32>
    %convert_element_type3A_64 = arith.truncf %get3A_63 : vector<128x32xf32> to vector<128x32xbf16>
    %convert_element_type3A_65 = arith.truncf %max3A_60 : vector<32x4096xf32> to vector<32x4096xbf16>
    %dot_general3A_66 = arith.constant dense<0.000000e+00> : vector<128x4096xf32>
    %dot_general3A_67 = tpu.matmul %convert_element_type3A_64, %convert_element_type3A_65, %dot_general3A_66 {dimension_numbers = #tpu.dot_dimension_numbers<[1], [0], [0], [1], [0, 0, 1, 1], [], []>, transpose_lhs_hint = false} : vector<128x32xbf16>, vector<32x4096xbf16>, vector<128x4096xf32> -> vector<128x4096xf32>
    %get3A_68 = arith.constant 0 : index
    %get3A_69 = arith.constant 0 : index
    %get3A_70 = vector.load %arg9[%get3A_68, %get3A_69] : memref<128x1xf32, #tpu.memory_space<vmem>>, vector<128x1xf32>
    %add3A_71 = vector.broadcast %get3A_70 : vector<128x1xf32> to vector<128x4096xf32>
    %add3A_72 = arith.addf %dot_general3A_67, %add3A_71 : vector<128x4096xf32>
    %max3A_73 = arith.constant 0.000000e+00 : f32
    %max3A_74 = vector.broadcast %max3A_73 : f32 to vector<128x4096xf32>
    %max3A_75 = arith.maximumf %add3A_72, %max3A_74 : vector<128x4096xf32>
    %get3A_76 = arith.constant 0 : index
    %get3A_77 = arith.constant 0 : index
    %get3A_78 = vector.load %arg10[%get3A_76, %get3A_77] : memref<128x128xf32, #tpu.memory_space<vmem>>, vector<128x128xf32>
    %convert_element_type3A_79 = arith.truncf %get3A_78 : vector<128x128xf32> to vector<128x128xbf16>
    %convert_element_type3A_80 = arith.truncf %max3A_75 : vector<128x4096xf32> to vector<128x4096xbf16>
    %dot_general3A_81 = arith.constant dense<0.000000e+00> : vector<128x4096xf32>
    %dot_general3A_82 = tpu.matmul %convert_element_type3A_79, %convert_element_type3A_80, %dot_general3A_81 {dimension_numbers = #tpu.dot_dimension_numbers<[1], [0], [0], [1], [0, 0, 1, 1], [], []>, transpose_lhs_hint = false} : vector<128x128xbf16>, vector<128x4096xbf16>, vector<128x4096xf32> -> vector<128x4096xf32>
    %get3A_83 = arith.constant 0 : index
    %get3A_84 = arith.constant 0 : index
    %get3A_85 = vector.load %arg11[%get3A_83, %get3A_84] : memref<128x1xf32, #tpu.memory_space<vmem>>, vector<128x1xf32>
    %add3A_86 = vector.broadcast %get3A_85 : vector<128x1xf32> to vector<128x4096xf32>
    %add3A_87 = arith.addf %dot_general3A_82, %add3A_86 : vector<128x4096xf32>
    %mul3A_88 = arith.mulf %add3A_87, %transpose3A : vector<128x4096xf32>
    %slice3A_89 = vector.extract_strided_slice %mul3A_88 {offsets = [0, 0], sizes = [128, 256], strides = [1, 1]} : vector<128x4096xf32> to vector<128x256xf32>
    %slice3A_90 = vector.extract_strided_slice %mul3A_88 {offsets = [0, 256], sizes = [128, 256], strides = [1, 1]} : vector<128x4096xf32> to vector<128x256xf32>
    %max3A_91 = arith.maximumf %slice3A_89, %slice3A_90 : vector<128x256xf32>
    %slice3A_92 = vector.extract_strided_slice %mul3A_88 {offsets = [0, 512], sizes = [128, 256], strides = [1, 1]} : vector<128x4096xf32> to vector<128x256xf32>
    %max3A_93 = arith.maximumf %max3A_91, %slice3A_92 : vector<128x256xf32>
    %slice3A_94 = vector.extract_strided_slice %mul3A_88 {offsets = [0, 768], sizes = [128, 256], strides = [1, 1]} : vector<128x4096xf32> to vector<128x256xf32>
    %max3A_95 = arith.maximumf %max3A_93, %slice3A_94 : vector<128x256xf32>
    %slice3A_96 = vector.extract_strided_slice %mul3A_88 {offsets = [0, 1024], sizes = [128, 256], strides = [1, 1]} : vector<128x4096xf32> to vector<128x256xf32>
    %max3A_97 = arith.maximumf %max3A_95, %slice3A_96 : vector<128x256xf32>
    %slice3A_98 = vector.extract_strided_slice %mul3A_88 {offsets = [0, 1280], sizes = [128, 256], strides = [1, 1]} : vector<128x4096xf32> to vector<128x256xf32>
    %max3A_99 = arith.maximumf %max3A_97, %slice3A_98 : vector<128x256xf32>
    %slice3A_100 = vector.extract_strided_slice %mul3A_88 {offsets = [0, 1536], sizes = [128, 256], strides = [1, 1]} : vector<128x4096xf32> to vector<128x256xf32>
    %max3A_101 = arith.maximumf %max3A_99, %slice3A_100 : vector<128x256xf32>
    %slice3A_102 = vector.extract_strided_slice %mul3A_88 {offsets = [0, 1792], sizes = [128, 256], strides = [1, 1]} : vector<128x4096xf32> to vector<128x256xf32>
    %max3A_103 = arith.maximumf %max3A_101, %slice3A_102 : vector<128x256xf32>
    %slice3A_104 = vector.extract_strided_slice %mul3A_88 {offsets = [0, 2048], sizes = [128, 256], strides = [1, 1]} : vector<128x4096xf32> to vector<128x256xf32>
    %max3A_105 = arith.maximumf %max3A_103, %slice3A_104 : vector<128x256xf32>
    %slice3A_106 = vector.extract_strided_slice %mul3A_88 {offsets = [0, 2304], sizes = [128, 256], strides = [1, 1]} : vector<128x4096xf32> to vector<128x256xf32>
    %max3A_107 = arith.maximumf %max3A_105, %slice3A_106 : vector<128x256xf32>
    %slice3A_108 = vector.extract_strided_slice %mul3A_88 {offsets = [0, 2560], sizes = [128, 256], strides = [1, 1]} : vector<128x4096xf32> to vector<128x256xf32>
    %max3A_109 = arith.maximumf %max3A_107, %slice3A_108 : vector<128x256xf32>
    %slice3A_110 = vector.extract_strided_slice %mul3A_88 {offsets = [0, 2816], sizes = [128, 256], strides = [1, 1]} : vector<128x4096xf32> to vector<128x256xf32>
    %max3A_111 = arith.maximumf %max3A_109, %slice3A_110 : vector<128x256xf32>
    %slice3A_112 = vector.extract_strided_slice %mul3A_88 {offsets = [0, 3072], sizes = [128, 256], strides = [1, 1]} : vector<128x4096xf32> to vector<128x256xf32>
    %max3A_113 = arith.maximumf %max3A_111, %slice3A_112 : vector<128x256xf32>
    %slice3A_114 = vector.extract_strided_slice %mul3A_88 {offsets = [0, 3328], sizes = [128, 256], strides = [1, 1]} : vector<128x4096xf32> to vector<128x256xf32>
    %max3A_115 = arith.maximumf %max3A_113, %slice3A_114 : vector<128x256xf32>
    %slice3A_116 = vector.extract_strided_slice %mul3A_88 {offsets = [0, 3584], sizes = [128, 256], strides = [1, 1]} : vector<128x4096xf32> to vector<128x256xf32>
    %max3A_117 = arith.maximumf %max3A_115, %slice3A_116 : vector<128x256xf32>
    %slice3A_118 = vector.extract_strided_slice %mul3A_88 {offsets = [0, 3840], sizes = [128, 256], strides = [1, 1]} : vector<128x4096xf32> to vector<128x256xf32>
    %max3A_119 = arith.maximumf %max3A_117, %slice3A_118 : vector<128x256xf32>
    %max3A_120 = arith.constant 0.000000e+00 : f32
    %max3A_121 = vector.broadcast %max3A_120 : f32 to vector<128x256xf32>
    %max3A_122 = arith.maximumf %max3A_119, %max3A_121 : vector<128x256xf32>
    %get3A_123 = arith.constant 0 : index
    %get3A_124 = arith.constant 0 : index
    %get3A_125 = vector.load %arg12[%get3A_123, %get3A_124] : memref<128x128xf32, #tpu.memory_space<vmem>>, vector<128x128xf32>
    %convert_element_type3A_126 = arith.truncf %get3A_125 : vector<128x128xf32> to vector<128x128xbf16>
    %convert_element_type3A_127 = arith.truncf %max3A_122 : vector<128x256xf32> to vector<128x256xbf16>
    %dot_general3A_128 = arith.constant dense<0.000000e+00> : vector<128x256xf32>
    %dot_general3A_129 = tpu.matmul %convert_element_type3A_126, %convert_element_type3A_127, %dot_general3A_128 {dimension_numbers = #tpu.dot_dimension_numbers<[1], [0], [0], [1], [0, 0, 1, 1], [], []>, transpose_lhs_hint = false} : vector<128x128xbf16>, vector<128x256xbf16>, vector<128x256xf32> -> vector<128x256xf32>
    %get3A_130 = arith.constant 0 : index
    %get3A_131 = arith.constant 0 : index
    %get3A_132 = vector.load %arg13[%get3A_130, %get3A_131] : memref<128x1xf32, #tpu.memory_space<vmem>>, vector<128x1xf32>
    %add3A_133 = vector.broadcast %get3A_132 : vector<128x1xf32> to vector<128x256xf32>
    %add3A_134 = arith.addf %dot_general3A_129, %add3A_133 : vector<128x256xf32>
    %swap3A = arith.constant 0 : index
    %swap3A_135 = arith.constant 0 : index
    %swap3A_136 = arith.constant 0 : index
    %swap3A_137 = vector.load %arg14[%swap3A, %swap3A_135, %swap3A_136] : memref<1x128x256xf32, #tpu.memory_space<vmem>>, vector<1x128x256xf32>
    %swap3A_138 = vector.shape_cast %swap3A_137 : vector<1x128x256xf32> to vector<128x256xf32>
    %swap3A_139 = vector.shape_cast %add3A_134 : vector<128x256xf32> to vector<1x128x256xf32>
    tpu.vector_store %arg14[%swap3A, %swap3A_135, %swap3A_136], %swap3A_139 {strides = array<i32>} : memref<1x128x256xf32, #tpu.memory_space<vmem>>, vector<1x128x256xf32>,
    %eq3A = arith.constant 0 : i32
    %eq3A_140 = arith.cmpi eq, %arg0, %eq3A : i32
    %convert_element_type3A_141 = arith.extui %eq3A_140 : i1 to i32
    %cond3A = arith.constant 0 : i32
    %cond3A_142 = arith.cmpi ne, %convert_element_type3A_141, %cond3A : i32
    scf.if %cond3A_142 {
      %broadcast_in_dim3A_162 = arith.constant 0.000000e+00 : f32
      %broadcast_in_dim3A_163 = vector.broadcast %broadcast_in_dim3A_162 : f32 to vector<128x8xf32>
      %swap3A_164 = arith.constant 0 : index
      %swap3A_165 = arith.constant 0 : index
      %swap3A_166 = vector.load %arg15[%swap3A_164, %swap3A_165] : memref<128x8xf32, #tpu.memory_space<vmem>>, vector<128x8xf32>
      tpu.vector_store %arg15[%swap3A_164, %swap3A_165], %broadcast_in_dim3A_163 {strides = array<i32>} : memref<128x8xf32, #tpu.memory_space<vmem>>, vector<128x8xf32>,
    } else {
    }
    %get3A_143 = arith.constant 0 : index
    %get3A_144 = arith.constant 0 : index
    %get3A_145 = vector.load %arg15[%get3A_143, %get3A_144] : memref<128x8xf32, #tpu.memory_space<vmem>>, vector<128x1xf32>
    %reduce_sum3A = arith.constant dense<0.000000e+00> : vector<128xf32>
    %reduce_sum3A_146 = vector.multi_reduction <add>, %add3A_134, %reduce_sum3A [1] : vector<128x256xf32> to vector<128xf32>
    %broadcast_in_dim3A = vector.shape_cast %reduce_sum3A_146 : vector<128xf32> to vector<128x1xf32>
    %add3A_147 = arith.addf %get3A_145, %broadcast_in_dim3A : vector<128x1xf32>
    %swap3A_148 = arith.constant 0 : index
    %swap3A_149 = arith.constant 0 : index
    %swap3A_150 = vector.load %arg15[%swap3A_148, %swap3A_149] : memref<128x8xf32, #tpu.memory_space<vmem>>, vector<128x1xf32>
    tpu.vector_store %arg15[%swap3A_148, %swap3A_149], %add3A_147 {strides = array<i32>} : memref<128x8xf32, #tpu.memory_space<vmem>>, vector<128x1xf32>,
    %get3A_151 = arith.constant 0 : index
    %get3A_152 = arith.constant 1 : index
    %get3A_153 = vector.load %arg15[%get3A_151, %get3A_152] : memref<128x8xf32, #tpu.memory_space<vmem>>, vector<128x1xf32>
    %mul3A_154 = arith.mulf %add3A_134, %add3A_134 : vector<128x256xf32>
    %reduce_sum3A_155 = arith.constant dense<0.000000e+00> : vector<128xf32>
    %reduce_sum3A_156 = vector.multi_reduction <add>, %mul3A_154, %reduce_sum3A_155 [1] : vector<128x256xf32> to vector<128xf32>
    %broadcast_in_dim3A_157 = vector.shape_cast %reduce_sum3A_156 : vector<128xf32> to vector<128x1xf32>
    %add3A_158 = arith.addf %get3A_153, %broadcast_in_dim3A_157 : vector<128x1xf32>
    %swap3A_159 = arith.constant 0 : index
    %swap3A_160 = arith.constant 1 : index
    %swap3A_161 = vector.load %arg15[%swap3A_159, %swap3A_160] : memref<128x8xf32, #tpu.memory_space<vmem>>, vector<128x1xf32>
    tpu.vector_store %arg15[%swap3A_159, %swap3A_160], %add3A_158 {strides = array<i32>} : memref<128x8xf32, #tpu.memory_space<vmem>>, vector<128x1xf32>,
    return
  }
  func.func @transform_0(%arg0: i32) -> (i32, i32, i32) {
    %c0_i32 = arith.constant 0 : i32
    %c0_i32_0 = arith.constant 0 : i32
    %c0_i32_1 = arith.constant 0 : i32
    return %arg0, %c0_i32, %c0_i32_0 : i32, i32, i32
  }
  func.func @transform_1(%arg0: i32) -> (i32, i32, i32) {
    %c0_i32 = arith.constant 0 : i32
    %c0_i32_0 = arith.constant 0 : i32
    %c0_i32_1 = arith.constant 0 : i32
    return %arg0, %c0_i32, %c0_i32_0 : i32, i32, i32
  }
  func.func @transform_2(%arg0: i32) -> (i32, i32) {
    %c0_i32 = arith.constant 0 : i32
    %c0_i32_0 = arith.constant 0 : i32
    %c0_i32_1 = arith.constant 0 : i32
    return %c0_i32, %c0_i32_0 : i32, i32
  }
  func.func @transform_3(%arg0: i32) -> (i32, i32) {
    %c0_i32 = arith.constant 0 : i32
    %c0_i32_0 = arith.constant 0 : i32
    %c0_i32_1 = arith.constant 0 : i32
    return %c0_i32, %c0_i32_0 : i32, i32
  }
  func.func @transform_4(%arg0: i32) -> (i32, i32) {
    %c0_i32 = arith.constant 0 : i32
    %c0_i32_0 = arith.constant 0 : i32
    %c0_i32_1 = arith.constant 0 : i32
    return %c0_i32, %c0_i32_0 : i32, i32
  }
  func.func @transform_5(%arg0: i32) -> (i32, i32) {
    %c0_i32 = arith.constant 0 : i32
    %c0_i32_0 = arith.constant 0 : i32
    %c0_i32_1 = arith.constant 0 : i32
    return %c0_i32, %c0_i32_0 : i32, i32
  }
  func.func @transform_6(%arg0: i32) -> (i32, i32) {
    %c0_i32 = arith.constant 0 : i32
    %c0_i32_0 = arith.constant 0 : i32
    %c0_i32_1 = arith.constant 0 : i32
    return %c0_i32, %c0_i32_0 : i32, i32
  }
  func.func @transform_7(%arg0: i32) -> (i32, i32) {
    %c0_i32 = arith.constant 0 : i32
    %c0_i32_0 = arith.constant 0 : i32
    %c0_i32_1 = arith.constant 0 : i32
    return %c0_i32, %c0_i32_0 : i32, i32
  }
  func.func @transform_8(%arg0: i32) -> (i32, i32) {
    %c0_i32 = arith.constant 0 : i32
    %c0_i32_0 = arith.constant 0 : i32
    %c0_i32_1 = arith.constant 0 : i32
    return %c0_i32, %c0_i32_0 : i32, i32
  }
  func.func @transform_9(%arg0: i32) -> (i32, i32) {
    %c0_i32 = arith.constant 0 : i32
    %c0_i32_0 = arith.constant 0 : i32
    %c0_i32_1 = arith.constant 0 : i32
    return %c0_i32, %c0_i32_0 : i32, i32
  }
  func.func @transform_10(%arg0: i32) -> (i32, i32) {
    %c0_i32 = arith.constant 0 : i32
    %c0_i32_0 = arith.constant 0 : i32
    %c0_i32_1 = arith.constant 0 : i32
    return %c0_i32, %c0_i32_0 : i32, i32
  }
  func.func @transform_11(%arg0: i32) -> (i32, i32) {
    %c0_i32 = arith.constant 0 : i32
    %c0_i32_0 = arith.constant 0 : i32
    %c0_i32_1 = arith.constant 0 : i32
    return %c0_i32, %c0_i32_0 : i32, i32
  }
  func.func @transform_12(%arg0: i32) -> (i32, i32) {
    %c0_i32 = arith.constant 0 : i32
    %c0_i32_0 = arith.constant 0 : i32
    %c0_i32_1 = arith.constant 0 : i32
    return %c0_i32, %c0_i32_0 : i32, i32
  }
  func.func @transform_13(%arg0: i32) -> (i32, i32, i32) {
    %c0_i32 = arith.constant 0 : i32
    %c0_i32_0 = arith.constant 0 : i32
    %c0_i32_1 = arith.constant 0 : i32
    return %arg0, %c0_i32, %c0_i32_0 : i32, i32, i32
  }
  func.func @transform_14(%arg0: i32) -> (i32, i32) {
    %c0_i32 = arith.constant 0 : i32
    %c0_i32_0 = arith.constant 0 : i32
    %c0_i32_1 = arith.constant 0 : i32
    return %c0_i32, %c0_i32_0 : i32, i32
  }
}

module attributes {stable_mosaic.version = 14 : i64} {
  func.func @_fc2_body(%arg0: i32, %arg1: memref<1x128x256xf32, #tpu.memory_space<vmem>>, %arg2: memref<128x1xf32, #tpu.memory_space<vmem>>, %arg3: memref<128x1xf32, #tpu.memory_space<vmem>>, %arg4: memref<128x128xf32, #tpu.memory_space<vmem>>, %arg5: memref<128x1xf32, #tpu.memory_space<vmem>>, %arg6: memref<1x128x256xf32, #tpu.memory_space<vmem>>, %arg7: memref<128x8xf32, #tpu.memory_space<vmem>>) attributes {dimension_semantics = [#tpu.dimension_semantics<arbitrary>], iteration_bounds = array<i64: 32>, scalar_prefetch = 0 : i64, scratch_operands = 0 : i64, tpu.core_type = #tpu.core_type<tc>, window_params = [{transform_indices = @transform_0, window_bounds = array<i64: 1, 128, 256>}, {pipeline_mode = #tpu.pipeline_mode<synchronous>, transform_indices = @transform_1, window_bounds = array<i64: 128, 1>}, {pipeline_mode = #tpu.pipeline_mode<synchronous>, transform_indices = @transform_2, window_bounds = array<i64: 128, 1>}, {pipeline_mode = #tpu.pipeline_mode<synchronous>, transform_indices = @transform_3, window_bounds = array<i64: 128, 128>}, {pipeline_mode = #tpu.pipeline_mode<synchronous>, transform_indices = @transform_4, window_bounds = array<i64: 128, 1>}, {transform_indices = @transform_5, window_bounds = array<i64: 1, 128, 256>}, {pipeline_mode = #tpu.pipeline_mode<synchronous>, transform_indices = @transform_6, window_bounds = array<i64: 128, 8>}]} {
    %get3A = arith.constant 0 : index
    %get3A_0 = arith.constant 0 : index
    %get3A_1 = arith.constant 0 : index
    %get3A_2 = vector.load %arg1[%get3A, %get3A_0, %get3A_1] : memref<1x128x256xf32, #tpu.memory_space<vmem>>, vector<1x128x256xf32>
    %get3A_3 = vector.shape_cast %get3A_2 : vector<1x128x256xf32> to vector<128x256xf32>
    %get3A_4 = arith.constant 0 : index
    %get3A_5 = arith.constant 0 : index
    %get3A_6 = vector.load %arg2[%get3A_4, %get3A_5] : memref<128x1xf32, #tpu.memory_space<vmem>>, vector<128x1xf32>
    %mul3A = vector.broadcast %get3A_6 : vector<128x1xf32> to vector<128x256xf32>
    %mul3A_7 = arith.mulf %get3A_3, %mul3A : vector<128x256xf32>
    %get3A_8 = arith.constant 0 : index
    %get3A_9 = arith.constant 0 : index
    %get3A_10 = vector.load %arg3[%get3A_8, %get3A_9] : memref<128x1xf32, #tpu.memory_space<vmem>>, vector<128x1xf32>
    %add3A = vector.broadcast %get3A_10 : vector<128x1xf32> to vector<128x256xf32>
    %add3A_11 = arith.addf %mul3A_7, %add3A : vector<128x256xf32>
    %max3A = arith.constant 0.000000e+00 : f32
    %max3A_12 = vector.broadcast %max3A : f32 to vector<128x256xf32>
    %max3A_13 = arith.maximumf %add3A_11, %max3A_12 : vector<128x256xf32>
    %get3A_14 = arith.constant 0 : index
    %get3A_15 = arith.constant 0 : index
    %get3A_16 = vector.load %arg4[%get3A_14, %get3A_15] : memref<128x128xf32, #tpu.memory_space<vmem>>, vector<128x128xf32>
    %convert_element_type3A = arith.truncf %get3A_16 : vector<128x128xf32> to vector<128x128xbf16>
    %convert_element_type3A_17 = arith.truncf %max3A_13 : vector<128x256xf32> to vector<128x256xbf16>
    %dot_general3A = arith.constant dense<0.000000e+00> : vector<128x256xf32>
    %dot_general3A_18 = tpu.matmul %convert_element_type3A, %convert_element_type3A_17, %dot_general3A {dimension_numbers = #tpu.dot_dimension_numbers<[1], [0], [0], [1], [0, 0, 1, 1], [], []>, transpose_lhs_hint = false} : vector<128x128xbf16>, vector<128x256xbf16>, vector<128x256xf32> -> vector<128x256xf32>
    %get3A_19 = arith.constant 0 : index
    %get3A_20 = arith.constant 0 : index
    %get3A_21 = vector.load %arg5[%get3A_19, %get3A_20] : memref<128x1xf32, #tpu.memory_space<vmem>>, vector<128x1xf32>
    %add3A_22 = vector.broadcast %get3A_21 : vector<128x1xf32> to vector<128x256xf32>
    %add3A_23 = arith.addf %dot_general3A_18, %add3A_22 : vector<128x256xf32>
    %swap3A = arith.constant 0 : index
    %swap3A_24 = arith.constant 0 : index
    %swap3A_25 = arith.constant 0 : index
    %swap3A_26 = vector.load %arg6[%swap3A, %swap3A_24, %swap3A_25] : memref<1x128x256xf32, #tpu.memory_space<vmem>>, vector<1x128x256xf32>
    %swap3A_27 = vector.shape_cast %swap3A_26 : vector<1x128x256xf32> to vector<128x256xf32>
    %swap3A_28 = vector.shape_cast %add3A_23 : vector<128x256xf32> to vector<1x128x256xf32>
    tpu.vector_store %arg6[%swap3A, %swap3A_24, %swap3A_25], %swap3A_28 {strides = array<i32>} : memref<1x128x256xf32, #tpu.memory_space<vmem>>, vector<1x128x256xf32>,
    %eq3A = arith.constant 0 : i32
    %eq3A_29 = arith.cmpi eq, %arg0, %eq3A : i32
    %convert_element_type3A_30 = arith.extui %eq3A_29 : i1 to i32
    %cond3A = arith.constant 0 : i32
    %cond3A_31 = arith.cmpi ne, %convert_element_type3A_30, %cond3A : i32
    scf.if %cond3A_31 {
      %broadcast_in_dim3A_51 = arith.constant 0.000000e+00 : f32
      %broadcast_in_dim3A_52 = vector.broadcast %broadcast_in_dim3A_51 : f32 to vector<128x8xf32>
      %swap3A_53 = arith.constant 0 : index
      %swap3A_54 = arith.constant 0 : index
      %swap3A_55 = vector.load %arg7[%swap3A_53, %swap3A_54] : memref<128x8xf32, #tpu.memory_space<vmem>>, vector<128x8xf32>
      tpu.vector_store %arg7[%swap3A_53, %swap3A_54], %broadcast_in_dim3A_52 {strides = array<i32>} : memref<128x8xf32, #tpu.memory_space<vmem>>, vector<128x8xf32>,
    } else {
    }
    %get3A_32 = arith.constant 0 : index
    %get3A_33 = arith.constant 0 : index
    %get3A_34 = vector.load %arg7[%get3A_32, %get3A_33] : memref<128x8xf32, #tpu.memory_space<vmem>>, vector<128x1xf32>
    %reduce_sum3A = arith.constant dense<0.000000e+00> : vector<128xf32>
    %reduce_sum3A_35 = vector.multi_reduction <add>, %add3A_23, %reduce_sum3A [1] : vector<128x256xf32> to vector<128xf32>
    %broadcast_in_dim3A = vector.shape_cast %reduce_sum3A_35 : vector<128xf32> to vector<128x1xf32>
    %add3A_36 = arith.addf %get3A_34, %broadcast_in_dim3A : vector<128x1xf32>
    %swap3A_37 = arith.constant 0 : index
    %swap3A_38 = arith.constant 0 : index
    %swap3A_39 = vector.load %arg7[%swap3A_37, %swap3A_38] : memref<128x8xf32, #tpu.memory_space<vmem>>, vector<128x1xf32>
    tpu.vector_store %arg7[%swap3A_37, %swap3A_38], %add3A_36 {strides = array<i32>} : memref<128x8xf32, #tpu.memory_space<vmem>>, vector<128x1xf32>,
    %get3A_40 = arith.constant 0 : index
    %get3A_41 = arith.constant 1 : index
    %get3A_42 = vector.load %arg7[%get3A_40, %get3A_41] : memref<128x8xf32, #tpu.memory_space<vmem>>, vector<128x1xf32>
    %mul3A_43 = arith.mulf %add3A_23, %add3A_23 : vector<128x256xf32>
    %reduce_sum3A_44 = arith.constant dense<0.000000e+00> : vector<128xf32>
    %reduce_sum3A_45 = vector.multi_reduction <add>, %mul3A_43, %reduce_sum3A_44 [1] : vector<128x256xf32> to vector<128xf32>
    %broadcast_in_dim3A_46 = vector.shape_cast %reduce_sum3A_45 : vector<128xf32> to vector<128x1xf32>
    %add3A_47 = arith.addf %get3A_42, %broadcast_in_dim3A_46 : vector<128x1xf32>
    %swap3A_48 = arith.constant 0 : index
    %swap3A_49 = arith.constant 1 : index
    %swap3A_50 = vector.load %arg7[%swap3A_48, %swap3A_49] : memref<128x8xf32, #tpu.memory_space<vmem>>, vector<128x1xf32>
    tpu.vector_store %arg7[%swap3A_48, %swap3A_49], %add3A_47 {strides = array<i32>} : memref<128x8xf32, #tpu.memory_space<vmem>>, vector<128x1xf32>,
    return
  }
  func.func @transform_0(%arg0: i32) -> (i32, i32, i32) {
    %c0_i32 = arith.constant 0 : i32
    %c0_i32_0 = arith.constant 0 : i32
    %c0_i32_1 = arith.constant 0 : i32
    return %arg0, %c0_i32, %c0_i32_0 : i32, i32, i32
  }
  func.func @transform_1(%arg0: i32) -> (i32, i32) {
    %c0_i32 = arith.constant 0 : i32
    %c0_i32_0 = arith.constant 0 : i32
    %c0_i32_1 = arith.constant 0 : i32
    return %c0_i32, %c0_i32_0 : i32, i32
  }
  func.func @transform_2(%arg0: i32) -> (i32, i32) {
    %c0_i32 = arith.constant 0 : i32
    %c0_i32_0 = arith.constant 0 : i32
    %c0_i32_1 = arith.constant 0 : i32
    return %c0_i32, %c0_i32_0 : i32, i32
  }
  func.func @transform_3(%arg0: i32) -> (i32, i32) {
    %c0_i32 = arith.constant 0 : i32
    %c0_i32_0 = arith.constant 0 : i32
    %c0_i32_1 = arith.constant 0 : i32
    return %c0_i32, %c0_i32_0 : i32, i32
  }
  func.func @transform_4(%arg0: i32) -> (i32, i32) {
    %c0_i32 = arith.constant 0 : i32
    %c0_i32_0 = arith.constant 0 : i32
    %c0_i32_1 = arith.constant 0 : i32
    return %c0_i32, %c0_i32_0 : i32, i32
  }
  func.func @transform_5(%arg0: i32) -> (i32, i32, i32) {
    %c0_i32 = arith.constant 0 : i32
    %c0_i32_0 = arith.constant 0 : i32
    %c0_i32_1 = arith.constant 0 : i32
    return %arg0, %c0_i32, %c0_i32_0 : i32, i32, i32
  }
  func.func @transform_6(%arg0: i32) -> (i32, i32) {
    %c0_i32 = arith.constant 0 : i32
    %c0_i32_0 = arith.constant 0 : i32
    %c0_i32_1 = arith.constant 0 : i32
    return %c0_i32, %c0_i32_0 : i32, i32
  }
}

module attributes {stable_mosaic.version = 14 : i64} {
  func.func @_bn2_body(%arg0: i32, %arg1: memref<1x128x256xf32, #tpu.memory_space<vmem>>, %arg2: memref<128x1xf32, #tpu.memory_space<vmem>>, %arg3: memref<128x1xf32, #tpu.memory_space<vmem>>, %arg4: memref<1x256x128xf32, #tpu.memory_space<vmem>>) attributes {dimension_semantics = [#tpu.dimension_semantics<arbitrary>], iteration_bounds = array<i64: 32>, scalar_prefetch = 0 : i64, scratch_operands = 0 : i64, tpu.core_type = #tpu.core_type<tc>, window_params = [{transform_indices = @transform_0, window_bounds = array<i64: 1, 128, 256>}, {pipeline_mode = #tpu.pipeline_mode<synchronous>, transform_indices = @transform_1, window_bounds = array<i64: 128, 1>}, {pipeline_mode = #tpu.pipeline_mode<synchronous>, transform_indices = @transform_2, window_bounds = array<i64: 128, 1>}, {transform_indices = @transform_3, window_bounds = array<i64: 1, 256, 128>}]} {
    %get3A = arith.constant 0 : index
    %get3A_0 = arith.constant 0 : index
    %get3A_1 = arith.constant 0 : index
    %get3A_2 = vector.load %arg1[%get3A, %get3A_0, %get3A_1] : memref<1x128x256xf32, #tpu.memory_space<vmem>>, vector<1x128x256xf32>
    %get3A_3 = vector.shape_cast %get3A_2 : vector<1x128x256xf32> to vector<128x256xf32>
    %get3A_4 = arith.constant 0 : index
    %get3A_5 = arith.constant 0 : index
    %get3A_6 = vector.load %arg2[%get3A_4, %get3A_5] : memref<128x1xf32, #tpu.memory_space<vmem>>, vector<128x1xf32>
    %mul3A = vector.broadcast %get3A_6 : vector<128x1xf32> to vector<128x256xf32>
    %mul3A_7 = arith.mulf %get3A_3, %mul3A : vector<128x256xf32>
    %get3A_8 = arith.constant 0 : index
    %get3A_9 = arith.constant 0 : index
    %get3A_10 = vector.load %arg3[%get3A_8, %get3A_9] : memref<128x1xf32, #tpu.memory_space<vmem>>, vector<128x1xf32>
    %add3A = vector.broadcast %get3A_10 : vector<128x1xf32> to vector<128x256xf32>
    %add3A_11 = arith.addf %mul3A_7, %add3A : vector<128x256xf32>
    %transpose3A = tpu.transpose %add3A_11, [1, 0] : vector<128x256xf32> -> vector<256x128xf32>
    %swap3A = arith.constant 0 : index
    %swap3A_12 = arith.constant 0 : index
    %swap3A_13 = arith.constant 0 : index
    %swap3A_14 = vector.load %arg4[%swap3A, %swap3A_12, %swap3A_13] : memref<1x256x128xf32, #tpu.memory_space<vmem>>, vector<1x256x128xf32>
    %swap3A_15 = vector.shape_cast %swap3A_14 : vector<1x256x128xf32> to vector<256x128xf32>
    %swap3A_16 = vector.shape_cast %transpose3A : vector<256x128xf32> to vector<1x256x128xf32>
    tpu.vector_store %arg4[%swap3A, %swap3A_12, %swap3A_13], %swap3A_16 {strides = array<i32>} : memref<1x256x128xf32, #tpu.memory_space<vmem>>, vector<1x256x128xf32>,
    return
  }
  func.func @transform_0(%arg0: i32) -> (i32, i32, i32) {
    %c0_i32 = arith.constant 0 : i32
    %c0_i32_0 = arith.constant 0 : i32
    %c0_i32_1 = arith.constant 0 : i32
    return %arg0, %c0_i32, %c0_i32_0 : i32, i32, i32
  }
  func.func @transform_1(%arg0: i32) -> (i32, i32) {
    %c0_i32 = arith.constant 0 : i32
    %c0_i32_0 = arith.constant 0 : i32
    %c0_i32_1 = arith.constant 0 : i32
    return %c0_i32, %c0_i32_0 : i32, i32
  }
  func.func @transform_2(%arg0: i32) -> (i32, i32) {
    %c0_i32 = arith.constant 0 : i32
    %c0_i32_0 = arith.constant 0 : i32
    %c0_i32_1 = arith.constant 0 : i32
    return %c0_i32, %c0_i32_0 : i32, i32
  }
  func.func @transform_3(%arg0: i32) -> (i32, i32, i32) {
    %c0_i32 = arith.constant 0 : i32
    %c0_i32_0 = arith.constant 0 : i32
    %c0_i32_1 = arith.constant 0 : i32
    return %arg0, %c0_i32, %c0_i32_0 : i32, i32, i32
  }
}

</mosaic_0001>

<sc_bundles>
// kernel: kernel.12.cloned.1.call-start
scs
__scs_entry_jumppad:
0x0: {  	(pc) =	sbr.rel $0x88, $3  }
0x1: {  	(tag) =	ssettag $0x0;
	lr =	simm.s32 $0x1  }
0x2: {  	[smem:$0x3F91] =	sst lr;
	_ =	strace $0xD0000000  }
0x3: {  	_ = 	snop  }
0x4: {  	_ = 	snop  }
0x5: {  	_ = 	snop  }
0x6: {  	_ = 	snop  }
0x7: {  	_ = 	snop  }
__scs_overlays_trampoline_lowered:
0x8: {  	[smem:$0x3FA0] =	sst s0  }
0x9: {  	[smem:$0x3FA1] =	sst s1  }
0xa: {  	[smem:$0x3FA2] =	sst s2  }
0xb: {  	[smem:$0x3FA3] =	sst s3  }
0xc: {  	[smem:$0x3FA4] =	sst s4  }
0xd: {  	[smem:$0x3FA5] =	sst s5  }
0xe: {  	[smem:$0x3FA6] =	sst s6  }
0xf: {  	[smem:$0x3FA7] =	sst s7  }
0x10: {  	[smem:$0x3FA8] =	sst s8  }
0x11: {  	[smem:$0x3FA9] =	sst s9;
	s0 =	simm.s32 @!p0 $0x0  }
0x12: {  	s1 =	sld [smem:$0x3F8F];
	s0 =	simm.s32 @p0 $0x1  }
0x13: {  	[smem:$0x3FAA] =	sst s0;
	s0 =	simm.s32 @!p1 $0x0  }
0x14: {  	s2 =	sld [smem:$0x3F8E];
	s0 =	simm.s32 @p1 $0x1  }
0x15: {  	[smem:$0x3FAB] =	sst s0;
	s0 =	simm.s32 @!p2 $0x0  }
0x16: {  	s3 =	sld [smem:$0x3FDB];
	s0 =	simm.s32 @p2 $0x1  }
0x17: {  	s4 =	simm.s32 $0x1BF5;
	[smem:$0x3FAD] =	sst s0  }
0x18: {  	s0 =	sld [smem:$0x3F90];
	_ =	swait.ge [sflag:s4], $0x0  }
0x19: {  	s7 =	sld [smem:$0x3F91]  }
0x1a: {  	s8 =	sadd.s32 $0xFFFFE003, lr  }
0x1b: {  	s9 =	sadd.s32 $0xFFFFFEF7, lr;
	s5 =	simm.s32 $0xFFFFFFFF;
	p2 =	slt.u32 s8, $0xFFFFF086  }
0x1c: {  	p1 =	slt.u32 s9, $0xF7A;
	s5 =	simm.s32 @!p2 $0x0  }
0x1d: {  	s5 =	simm.s32 @p1 $0x1;
	p0 =	seq.s32 s7, s2  }
0x1e: {  	s7 =	smul.u32 @!p0 $0xF7A, s2;
	p2 =	seq.s32 @!p0 s5, $0x0  }
0x1f: {  	s9 =	smul.u32 $0xF7A, s1;
	s8 =	simm.s32 @!p0 $0x1BF5;
	p2 =	por !p2, p0  }
0x20: {  	[sflag:s8] =	ssyncset.s32 @!p0 $0xFFFFF086;
	s6 =	sadd.s32 @!p0 s3, s7;
	s7 =	simm.s32 @!p0 $0x108  }
0x21: {  	s3 =	sadd.s32 s3, s9;
	s6 =	sadd.s32 @!p0 $0x88, s6;
	s7 =	simm.s32 @p2 $0x1082  }
0x22: {  	[simem:s7], [sflag:s8] =	dma.local @!p0 [hbm:s6], $0xF7A  }
0x23: {  	s9 =	sor.u32 $0xD0000000, s2;
	s6 =	simm.s32 $0x108;
	_ =	swait.ge @!p0 [sflag:s8], $0x0  }
0x24: {  	s3 =	sadd.s32 $0x88, s3;
	s6 =	simm.s32 @!p1 $0x1082;
	[sflag:s4] =	ssyncset.s32 $0xFFFFF086  }
0x25: {  	[simem:s6], [sflag:s4] =	dma.local [hbm:s3], $0xF7A  }
0x26: {  	[smem:$0x3F91] =	sst s1;
	(tag) =	ssettag s2;
	_ =	strace s9  }
0x27: {  	s1 =	sld [smem:$0x3FA1]  }
0x28: {  	s2 =	sld [smem:$0x3FA2]  }
0x29: {  	s4 =	sld [smem:$0x3FA4]  }
0x2a: {  	p0 =	seq.s32 s5, $0x0;
	s5 =	sld [smem:$0x3FA5]  }
0x2b: {  	s6 =	sld [smem:$0x3FA6]  }
0x2c: {  	s7 =	sld [smem:$0x3FA7]  }
0x2d: {  	s3 =	simm.s32 $0x108;
	s8 =	sld [smem:$0x3FA8]  }
0x2e: {  	s3 =	simm.s32 @!p0 $0x1082;
	s9 =	sld [smem:$0x3FA9]  }
0x2f: {  	lr =	sadd.s32 s0, s3;
	s0 =	sld [smem:$0x3FA0]  }
0x30: {  	s3 =	sld [smem:$0x3FA3]  }
0x31: {  	[smem:$0x3FAC] =	sst s10  }
0x32: {  	s10 =	sld [smem:$0x3FAA];
	_ =	sdelay $0x3  }
0x33: {  	p0 =	seq.s32 s10, $0x1;
	s10 =	sld [smem:$0x3FAC];
	_ =	sdelay $0x3  }
0x34: {  	[smem:$0x3FAC] =	sst s10  }
0x35: {  	s10 =	sld [smem:$0x3FAB];
	_ =	sdelay $0x3  }
0x36: {  	p1 =	seq.s32 s10, $0x1;
	s10 =	sld [smem:$0x3FAC];
	_ =	sdelay $0x3  }
0x37: {  	[smem:$0x3FAC] =	sst s10  }
0x38: {  	s10 =	sld [smem:$0x3FAD]  }
0x39: {  	_ = 	snop;
	(pc) =	sbr.ind lr, $3  }
0x3a: {  	_ = 	snop  }
0x3b: {  	_ = 	snop  }
0x3c: {  	p2 =	seq.s32 s10, $0x1;
	s10 =	sld [smem:$0x3FAC]  }
0x3d: {  	_ =	shalt  }
0x3e: {  	_ =	shalt  }
0x3f: {  	_ =	shalt  }
0x40: {  	_ =	shalt  }
0x41: {  	_ =	shalt  }
0x42: {  	_ =	shalt  }
0x43: {  	_ =	shalt  }
0x44: {  	_ =	shalt  }
0x45: {  	_ =	shalt  }
0x46: {  	_ =	shalt  }
0x47: {  	_ =	shalt  }
0x48: {  	_ =	shalt  }
0x49: {  	_ =	shalt  }
0x4a: {  	_ =	shalt  }
0x4b: {  	_ =	shalt  }
0x4c: {  	_ =	shalt  }
0x4d: {  	_ =	shalt  }
0x4e: {  	_ =	shalt  }
0x4f: {  	_ =	shalt  }
0x50: {  	_ =	shalt  }
0x51: {  	_ =	shalt  }
0x52: {  	_ =	shalt  }
0x53: {  	_ =	shalt  }
0x54: {  	_ =	shalt  }
0x55: {  	_ =	shalt  }
0x56: {  	_ =	shalt  }
0x57: {  	_ =	shalt  }
0x58: {  	_ =	shalt  }
0x59: {  	_ =	shalt  }
0x5a: {  	_ =	shalt  }
0x5b: {  	_ =	shalt  }
0x5c: {  	_ =	shalt  }
0x5d: {  	_ =	shalt  }
0x5e: {  	_ =	shalt  }
0x5f: {  	_ =	shalt  }
0x60: {  	_ =	shalt  }
0x61: {  	_ =	shalt  }
0x62: {  	_ =	shalt  }
0x63: {  	_ =	shalt  }
0x64: {  	_ =	shalt  }
0x65: {  	_ =	shalt  }
0x66: {  	_ =	shalt  }
0x67: {  	_ =	shalt  }
0x68: {  	_ =	shalt  }
0x69: {  	_ =	shalt  }
0x6a: {  	_ =	shalt  }
0x6b: {  	_ =	shalt  }
0x6c: {  	_ =	shalt  }
0x6d: {  	_ =	shalt  }
0x6e: {  	_ =	shalt  }
0x6f: {  	_ =	shalt  }
0x70: {  	_ =	shalt  }
0x71: {  	_ =	shalt  }
0x72: {  	_ =	shalt  }
0x73: {  	_ =	shalt  }
0x74: {  	_ =	shalt  }
0x75: {  	_ =	shalt  }
0x76: {  	_ =	shalt  }
0x77: {  	_ =	shalt  }
0x78: {  	_ =	shalt  }
0x79: {  	_ =	shalt  }
0x7a: {  	_ =	shalt  }
0x7b: {  	_ =	shalt  }
0x7c: {  	_ =	shalt  }
0x7d: {  	_ =	shalt  }
0x7e: {  	_ =	shalt  }
0x7f: {  	_ =	shalt  }
0x80: {  	_ =	shalt  }
0x81: {  	_ =	shalt  }
0x82: {  	_ =	shalt  }
0x83: {  	_ =	shalt  }
0x84: {  	_ =	shalt  }
0x85: {  	_ =	shalt  }
0x86: {  	_ =	shalt  }
0x87: {  	_ =	shalt  }
.Lfunc_end0:
.L_simem_size_0:
called_computation_lowered:
.L_overlay_start_0:
0x88: {  	s2 =	sld [smem:$0x3FD9]  }
0x89: {  	s3 =	sld [smem:$0x3FFE];
	_ =	sdelay $0x1  }
0x8a: {  	s1 =	srdreg.scid  }
0x8b: {  	s0 =	sand.u32 $0x1, s1  }
0x8c: {  	s17 =	sshll.u32 s0, $0xA;
	s2 =	sadd.s32 s3, s2  }
0x8d: {  	s2 =	sadd.s32 s2, s17  }
0x8e: {  	[smem:$0x3FB8] =	sst s2  }
0x8f: {  	_ = 	snop  }
0x90: {  	s2 =	sld [smem:$0x3FD0];
	(tm) =	ssettm $0x1  }
0x91: {  	s18 =	sld [smem:$0x3FFB];
	_ =	sdelay $0x3  }
0x92: {  	_ =	strace s18  }
0x93: {  	s3 =	sld [smem:$0x3FFC];
	_ =	sdelay $0x3  }
0x94: {  	_ =	strace s3  }
0x95: {  	s3 =	sld [smem:$0x3FFD];
	_ =	sdelay $0x3  }
0x96: {  	_ =	strace s3  }
0x97: {  	_ =	strace $0x8FFFFFFF  }
0x98: {  	s19 =	sld [smem:$0x3FDB];
	_ =	sdelay $0x1  }
0x99: {  	s4 =	simm.s32 $_scs_section_size  }
0x9a: {  	s5 =	simm.s32 $_size__tile_overlayer_lowered;
	s6 =	simm.s32 $_tile_overlayer_lowered  }
0x9b: {  	s22 =	simm.s32 $0x1BFF;
	s21 =	sshll.u32 s6, $0x1;
	s3 =	sadd.s32 s4, s19  }
0x9c: {  	s7 =	simm.s32 $0x0;
	s20 =	sshll.u32 s5, $0x1;
	s5 =	sadd.s32 s21, s3  }
0x9d: {  	[timem:s7], [sflag:s22] =	dma.local [hbm:s5], s20  }
0x9e: {  	_ =	swait.ge [sflag:s22], s20  }
0x9f: {  	s4 =	ssub.s32 $0x0, s20;
	[sflag:s22] =	ssyncset.done $0x0  }
0xa0: {  	[sflag:s22] =	ssyncadd.s32 s4;
	_ =	sdelay $0x1  }
0xa1: {  	s23 =	simm.s32 $0x1B8B  }
0xa2: {  	_ =	swait.ge [sflag:s23], $0x1  }
0xa3: {  	[sflag:s23] =	ssyncset.done $0x0  }
0xa4: {  	s25 =	simm.s32 $0x1B8E;
	s24 =	sld [smem:$0x3FFE];
	[sflag:s23] =	ssyncadd.s32 $0xFFFFFFFF  }
0xa5: {  	s26 =	simm.s32 $execute0_lowered;
	[smem:$0x3FD2] =	sst s25  }
0xa6: {  	s5 =	sshll.u32 s26, $0x1;
	_ =	strace $0x80000046;
	[dreg:$0x1] =	wrdreg $0xFFFFFFFF  }
0xa7: {  	s28 =	simm.s32 $_size_execute0_lowered;
	s3 =	sadd.s32 s3, s5;
	[dreg:$0x0] =	wrdreg $0x0  }
0xa8: {  	s5 =	sshll.u32 s28, $0x1;
	[dreg:$0x2] =	wrdreg s3  }
0xa9: {  	[dreg:$0x3] =	wrdreg s5  }
0xaa: {  	[dreg:$0x4] =	wrdreg $0xC0  }
0xab: {  	_ =	task [dreg:s7], $0x5FFFF  }
0xac: {  	[dreg:$0x1] =	wrdreg $0xFFFFFFFF  }
0xad: {  	[dreg:$0x0] =	wrdreg $0x60  }
0xae: {  	[dreg:$0x2] =	wrdreg s2  }
0xaf: {  	[dreg:$0x3] =	wrdreg s24  }
0xb0: {  	[dreg:$0x4] =	wrdreg $0x9  }
0xb1: {  	_ =	task.clear_ibuf [dreg:s7], $0x5FFFF;
	_ =	strace $0x90000046  }
0xb2: {  	s29 =	simm.s32 $0x9;
	_ =	strace $0x80000048  }
0xb3: {  	_ =	swait.ge [sflag:s29], $0x1  }
0xb4: {  	[sflag:s29] =	ssyncadd.s32 $0xFFFFFFFF  }
0xb5: {  	_ =	strace $0x90000048  }
0xb6: {  	_ =	sfence  }
0xb7: {  	s30 =	sld [smem:$0x0];
	_ =	sdelay $0x2  }
0xb8: {  	s31 =	sshll.u32 s1, $0xD;
	s1 =	sshrl.u32 s1, $0x2  }
0xb9: {  	s3 =	sand.u32 $0x4000, s31;
	s1 =	sadd.s32 s1, s30  }
0xba: {  	s0 =	sor.u32 s3, s0;
	s1 =	sshll.u32 s1, $0x11  }
0xbb: {  	s0 =	sor.u32 s1, s0  }
0xbc: {  	s0 =	sadd.s32 $0x8F2B, s0  }
0xbd: {  	[sflag:s0] =	ssyncadd.remote.s32 $0x1  }
0xbe: {  	_ =	sfence.sel $0xFFFF  }
0xbf: {  	[dreg:$0x0] =	wrdreg $0xFFFFFFFF;
	(pc) =	sbr.abs _section_cstart, $3  }
0xc0: {  	[dreg:$0x1] =	wrdreg $0xFFFFFFFF  }
0xc1: {  	_ =	task.clear_ibuf [dreg:s7], $0x2FFFF;
	_ =	strace $0x9FFFFFFF  }
0xc2: {  	(tm) =	ssettm $0x7FFFFFFF  }
0xc3: {  	_ =	shalt  }
tec
execute0_lowered:
.L_overlay_start_1:
0x0: {  	(tag) =	ssettag $0x1  }
0x1: {  	s2 =	rddreg [dreg:$0x0]  }
0x2: {  	s4 =	rddreg [dreg:$0x1];
	s3 =	srdreg.scid  }
0x3: {  	s0 =	rddreg [dreg:$0x2];
	s1 =	stileid.u32  }
0x4: {  	s10 =	simm.s32 $0x1;
	s11 =	simm.s32 $0x0;
	s5 =	sand.u32 $0x1, s3  }
0x5: {  	s3 =	simm.s32 $0x0;
	s6 =	sshll.u32 s1, $0xD;
	s8 =	sshll.u32 s1, $0x11  }
0x6: {  	s7 =	sshll.u32 s5, $0xC;
	[smem:$0x7FF] =	sst s3;
	s29 =	ssub.s32 $0x2, s5  }
0x7: {  	s8 =	sadd.s32 s8, s4;
	s30 =	sshll.u32 s5, $0x10;
	s6 =	sor.u32 s7, s6  }
0x8: {  	_ =	strace $0x80000047;
	s9 =	sshrl.u32 s29, $0x1;
	s31 =	sadd.s32 s30, s8  }
0x9: {  	s8 =	simm.s32 $0x80;
	s6 =	sshrl.u32 s6, $0x3;
	s7 =	ssub.s32 s29, s9  }
0xa: {  	s9 =	simm.s32 $0x1000;
	s6 =	sadd.s32 s6, s4;
	s5 =	smax.u32 s7, $0x1  }
0xb: {  	s7 =	simm.s32 $0x2;
	s4 =	sadd.s32 $0x5E00, s6;
	s6 =	sadd.s32 $0x9E00, s31  }
.LBB2_1:
0xc: {  	[tilespmem:s3], [sflag:$0x2] =	stream.linear.gather [hbm4b:s4+s3], $0x1000, $0x38;
	[tilespmem:$0x5000] =	vst v63  }
0xd: {  	_ =	swait.ge [sflag:s7], $0x1000  }
0xe: {  	[sflag:s7] =	ssyncset.done $0x0  }
0xf: {  	s12 =	simm.s32 $0x0;
	[sflag:s7] =	ssyncadd.s32 $0xFFFFF000  }
0x10: {  	[tilespmem:s9], [sflag:$0x1] =	stream.indirect.gather [hbm4b:s2+s8], $0x80, s12, s8, $0xb8;
	[tilespmem:$0x5000] =	vst v63  }
0x11: {  	_ =	swait.ge [sflag:s10], $0x4000  }
0x12: {  	[sflag:s10] =	ssyncset.done $0x0  }
0x13: {  	[sflag:s10] =	ssyncadd.s32 $0xFFFFC000  }
0x14: {  	[hbm4b:s6+s3] =	stream.linear.scatter [tilespmem:s9], [sflag:$0x2], $0x4000, $0x38;
	[tilespmem:$0x5000] =	vst v63  }
0x15: {  	s13 =	simm.s32 $0x200;
	_ =	swait.ge [sflag:s7], $0x4000  }
0x16: {  	s14 =	simm.s32 $0x400;
	s12 =	sadd.s32 $0x800, s6;
	[sflag:s7] =	ssyncset.done $0x0  }
.LBB2_2:
0x17: {  	s15 =	sshra.s32 s13, $0x2  }
0x18: {  	[sflag:s7] =	ssyncadd.s32 $0xFFFFC000;
	s13 =	smov.u32 s14;
	s16 =	sadd.s32 $0x200, s14  }
0x19: {  	[tilespmem:s9], [sflag:$0x1] =	stream.indirect.gather [hbm4b:s2+s8], $0x80, s15, s8, $0xb8;
	[tilespmem:$0x5000] =	vst v63  }
0x1a: {  	p0 =	sne.s32 s14, $0x3E00;
	_ =	swait.ge [sflag:s10], $0x4000  }
.Ltmp0:
0x1b: {  	[sflag:s10] =	ssyncset.done $0x0;
	(pc) =	sbr.rel @p0 .LBB2_2-.Ltmp0, $4  }
0x1c: {  	[sflag:s10] =	ssyncadd.s32 $0xFFFFC000  }
0x1d: {  	[hbm4b:s12+s3] =	stream.linear.scatter [tilespmem:s9], [sflag:$0x2], $0x4000, $0x38;
	[tilespmem:$0x5000] =	vst v63  }
0x1e: {  	_ =	swait.ge [sflag:s7], $0x4000  }
0x1f: {  	s14 =	smov.u32 s16;
	s12 =	sadd.s32 $0x800, s12;
	[sflag:s7] =	ssyncset.done $0x0  }
0x20: {  	s13 =	sshra.s32 s13, $0x2;
	[sflag:s7] =	ssyncadd.s32 $0xFFFFC000  }
0x21: {  	[tilespmem:s9], [sflag:$0x1] =	stream.indirect.gather [hbm4b:s2+s8], $0x80, s13, s8, $0xb8;
	[tilespmem:$0x5000] =	vst v63  }
0x22: {  	s11 =	sadd.s32 $0x1, s11;
	_ =	swait.ge [sflag:s10], $0x4000  }
0x23: {  	p0 =	sne.s32 s11, s5;
	[sflag:s10] =	ssyncset.done $0x0  }
.Ltmp1:
0x24: {  	[sflag:s10] =	ssyncadd.s32 $0xFFFFC000;
	(pc) =	sbr.rel @p0 .LBB2_1-.Ltmp1, $4  }
0x25: {  	[hbm4b:s12+s3] =	stream.linear.scatter [tilespmem:s9], [sflag:$0x2], $0x4000, $0x38;
	[tilespmem:$0x5000] =	vst v63  }
0x26: {  	_ =	swait.ge [sflag:s7], $0x4000  }
0x27: {  	[sflag:s7] =	ssyncset.done $0x0  }
0x28: {  	[sflag:s7] =	ssyncadd.s32 $0xFFFFC000  }
0x29: {  	_ =	sfence.sel $0x180000  }
0x2a: {  	[bflag:$0x0] =	sbarrier.arrive $0xFFFF  }
0x2b: {  	p0 =	sne.s32 s1, $0x0;
	_ =	strace $0x90000047  }
0x2c: {  	s0 =	sadd.s32 @!p0 $0x100000, s0;
	[bflag:$0x2] =	sbarrier.arrive $0xFFFF  }
0x2d: {  	[sflag:s0] =	ssyncadd.tile.s32 @!p0 $0x1;
	_ =	shalt  }
.Lfunc_end2:
_tile_overlayer_lowered:
.L_overlay_start_2:
0x2e: {  	(tag) =	ssettag $0x2  }
0x2f: {  	s0 =	rddreg [dreg:$0x0];
	s2 =	stileid.u32  }
0x30: {  	s1 =	rddreg [dreg:$0x1];
	p0 =	sne.s32 s2, $0x0  }
0x31: {  	s3 =	rddreg [dreg:$0x2];
	[bflag:$0x3] =	sbarrier.arrive $0xFFFF;
	s2 =	simm.s32 @!p0 $0x1C02  }
0x32: {  	[timem:s3], [sflag:s2] =	dma.local @!p0 [hbm:s0], s1  }
0x33: {  	s0 =	simm.s32 @!p0 $0x2  }
0x34: {  	_ =	swait.ge @!p0 [sflag:s0], s1  }
0x35: {  	s1 =	ssub.s32 @!p0 $0x0, s1;
	[sflag:s0] =	ssyncset.done @!p0 $0x0  }
0x36: {  	[sflag:s0] =	ssyncadd.s32 @!p0 s1  }
0x37: {  	[bflag:$0x3] =	sbarrier.arrive $0xFFFF  }
0x38: {  	_ =	shalt  }

// kernel: kernel.15.cloned.1.call-start
scs
__scs_entry_jumppad:
0x0: {  	(pc) =	sbr.rel $0x88, $3  }
0x1: {  	(tag) =	ssettag $0x0;
	lr =	simm.s32 $0x1  }
0x2: {  	[smem:$0x3F91] =	sst lr;
	_ =	strace $0xD0000000  }
0x3: {  	_ = 	snop  }
0x4: {  	_ = 	snop  }
0x5: {  	_ = 	snop  }
0x6: {  	_ = 	snop  }
0x7: {  	_ = 	snop  }
__scs_overlays_trampoline_lowered:
0x8: {  	[smem:$0x3FA0] =	sst s0  }
0x9: {  	[smem:$0x3FA1] =	sst s1  }
0xa: {  	[smem:$0x3FA2] =	sst s2  }
0xb: {  	[smem:$0x3FA3] =	sst s3  }
0xc: {  	[smem:$0x3FA4] =	sst s4  }
0xd: {  	[smem:$0x3FA5] =	sst s5  }
0xe: {  	[smem:$0x3FA6] =	sst s6  }
0xf: {  	[smem:$0x3FA7] =	sst s7  }
0x10: {  	[smem:$0x3FA8] =	sst s8  }
0x11: {  	[smem:$0x3FA9] =	sst s9;
	s0 =	simm.s32 @!p0 $0x0  }
0x12: {  	s1 =	sld [smem:$0x3F8F];
	s0 =	simm.s32 @p0 $0x1  }
0x13: {  	[smem:$0x3FAA] =	sst s0;
	s0 =	simm.s32 @!p1 $0x0  }
0x14: {  	s2 =	sld [smem:$0x3F8E];
	s0 =	simm.s32 @p1 $0x1  }
0x15: {  	[smem:$0x3FAB] =	sst s0;
	s0 =	simm.s32 @!p2 $0x0  }
0x16: {  	s3 =	sld [smem:$0x3FDB];
	s0 =	simm.s32 @p2 $0x1  }
0x17: {  	s4 =	simm.s32 $0x1BF5;
	[smem:$0x3FAD] =	sst s0  }
0x18: {  	s0 =	sld [smem:$0x3F90];
	_ =	swait.ge [sflag:s4], $0x0  }
0x19: {  	s7 =	sld [smem:$0x3F91]  }
0x1a: {  	s8 =	sadd.s32 $0xFFFFE003, lr  }
0x1b: {  	s9 =	sadd.s32 $0xFFFFFEF7, lr;
	s5 =	simm.s32 $0xFFFFFFFF;
	p2 =	slt.u32 s8, $0xFFFFF086  }
0x1c: {  	p1 =	slt.u32 s9, $0xF7A;
	s5 =	simm.s32 @!p2 $0x0  }
0x1d: {  	s5 =	simm.s32 @p1 $0x1;
	p0 =	seq.s32 s7, s2  }
0x1e: {  	s7 =	smul.u32 @!p0 $0xF7A, s2;
	p2 =	seq.s32 @!p0 s5, $0x0  }
0x1f: {  	s9 =	smul.u32 $0xF7A, s1;
	s8 =	simm.s32 @!p0 $0x1BF5;
	p2 =	por !p2, p0  }
0x20: {  	[sflag:s8] =	ssyncset.s32 @!p0 $0xFFFFF086;
	s6 =	sadd.s32 @!p0 s3, s7;
	s7 =	simm.s32 @!p0 $0x108  }
0x21: {  	s3 =	sadd.s32 s3, s9;
	s6 =	sadd.s32 @!p0 $0x88, s6;
	s7 =	simm.s32 @p2 $0x1082  }
0x22: {  	[simem:s7], [sflag:s8] =	dma.local @!p0 [hbm:s6], $0xF7A  }
0x23: {  	s9 =	sor.u32 $0xD0000000, s2;
	s6 =	simm.s32 $0x108;
	_ =	swait.ge @!p0 [sflag:s8], $0x0  }
0x24: {  	s3 =	sadd.s32 $0x88, s3;
	s6 =	simm.s32 @!p1 $0x1082;
	[sflag:s4] =	ssyncset.s32 $0xFFFFF086  }
0x25: {  	[simem:s6], [sflag:s4] =	dma.local [hbm:s3], $0xF7A  }
0x26: {  	[smem:$0x3F91] =	sst s1;
	(tag) =	ssettag s2;
	_ =	strace s9  }
0x27: {  	s1 =	sld [smem:$0x3FA1]  }
0x28: {  	s2 =	sld [smem:$0x3FA2]  }
0x29: {  	s4 =	sld [smem:$0x3FA4]  }
0x2a: {  	p0 =	seq.s32 s5, $0x0;
	s5 =	sld [smem:$0x3FA5]  }
0x2b: {  	s6 =	sld [smem:$0x3FA6]  }
0x2c: {  	s7 =	sld [smem:$0x3FA7]  }
0x2d: {  	s3 =	simm.s32 $0x108;
	s8 =	sld [smem:$0x3FA8]  }
0x2e: {  	s3 =	simm.s32 @!p0 $0x1082;
	s9 =	sld [smem:$0x3FA9]  }
0x2f: {  	lr =	sadd.s32 s0, s3;
	s0 =	sld [smem:$0x3FA0]  }
0x30: {  	s3 =	sld [smem:$0x3FA3]  }
0x31: {  	[smem:$0x3FAC] =	sst s10  }
0x32: {  	s10 =	sld [smem:$0x3FAA];
	_ =	sdelay $0x3  }
0x33: {  	p0 =	seq.s32 s10, $0x1;
	s10 =	sld [smem:$0x3FAC];
	_ =	sdelay $0x3  }
0x34: {  	[smem:$0x3FAC] =	sst s10  }
0x35: {  	s10 =	sld [smem:$0x3FAB];
	_ =	sdelay $0x3  }
0x36: {  	p1 =	seq.s32 s10, $0x1;
	s10 =	sld [smem:$0x3FAC];
	_ =	sdelay $0x3  }
0x37: {  	[smem:$0x3FAC] =	sst s10  }
0x38: {  	s10 =	sld [smem:$0x3FAD]  }
0x39: {  	_ = 	snop;
	(pc) =	sbr.ind lr, $3  }
0x3a: {  	_ = 	snop  }
0x3b: {  	_ = 	snop  }
0x3c: {  	p2 =	seq.s32 s10, $0x1;
	s10 =	sld [smem:$0x3FAC]  }
0x3d: {  	_ =	shalt  }
0x3e: {  	_ =	shalt  }
0x3f: {  	_ =	shalt  }
0x40: {  	_ =	shalt  }
0x41: {  	_ =	shalt  }
0x42: {  	_ =	shalt  }
0x43: {  	_ =	shalt  }
0x44: {  	_ =	shalt  }
0x45: {  	_ =	shalt  }
0x46: {  	_ =	shalt  }
0x47: {  	_ =	shalt  }
0x48: {  	_ =	shalt  }
0x49: {  	_ =	shalt  }
0x4a: {  	_ =	shalt  }
0x4b: {  	_ =	shalt  }
0x4c: {  	_ =	shalt  }
0x4d: {  	_ =	shalt  }
0x4e: {  	_ =	shalt  }
0x4f: {  	_ =	shalt  }
0x50: {  	_ =	shalt  }
0x51: {  	_ =	shalt  }
0x52: {  	_ =	shalt  }
0x53: {  	_ =	shalt  }
0x54: {  	_ =	shalt  }
0x55: {  	_ =	shalt  }
0x56: {  	_ =	shalt  }
0x57: {  	_ =	shalt  }
0x58: {  	_ =	shalt  }
0x59: {  	_ =	shalt  }
0x5a: {  	_ =	shalt  }
0x5b: {  	_ =	shalt  }
0x5c: {  	_ =	shalt  }
0x5d: {  	_ =	shalt  }
0x5e: {  	_ =	shalt  }
0x5f: {  	_ =	shalt  }
0x60: {  	_ =	shalt  }
0x61: {  	_ =	shalt  }
0x62: {  	_ =	shalt  }
0x63: {  	_ =	shalt  }
0x64: {  	_ =	shalt  }
0x65: {  	_ =	shalt  }
0x66: {  	_ =	shalt  }
0x67: {  	_ =	shalt  }
0x68: {  	_ =	shalt  }
0x69: {  	_ =	shalt  }
0x6a: {  	_ =	shalt  }
0x6b: {  	_ =	shalt  }
0x6c: {  	_ =	shalt  }
0x6d: {  	_ =	shalt  }
0x6e: {  	_ =	shalt  }
0x6f: {  	_ =	shalt  }
0x70: {  	_ =	shalt  }
0x71: {  	_ =	shalt  }
0x72: {  	_ =	shalt  }
0x73: {  	_ =	shalt  }
0x74: {  	_ =	shalt  }
0x75: {  	_ =	shalt  }
0x76: {  	_ =	shalt  }
0x77: {  	_ =	shalt  }
0x78: {  	_ =	shalt  }
0x79: {  	_ =	shalt  }
0x7a: {  	_ =	shalt  }
0x7b: {  	_ =	shalt  }
0x7c: {  	_ =	shalt  }
0x7d: {  	_ =	shalt  }
0x7e: {  	_ =	shalt  }
0x7f: {  	_ =	shalt  }
0x80: {  	_ =	shalt  }
0x81: {  	_ =	shalt  }
0x82: {  	_ =	shalt  }
0x83: {  	_ =	shalt  }
0x84: {  	_ =	shalt  }
0x85: {  	_ =	shalt  }
0x86: {  	_ =	shalt  }
0x87: {  	_ =	shalt  }
.Lfunc_end0:
.L_simem_size_0:
called_computation.1_lowered:
.L_overlay_start_0:
0x88: {  	s2 =	sld [smem:$0x3FD9]  }
0x89: {  	s3 =	sld [smem:$0x3FFE];
	_ =	sdelay $0x1  }
0x8a: {  	s1 =	srdreg.scid  }
0x8b: {  	s0 =	sand.u32 $0x1, s1  }
0x8c: {  	s17 =	sshll.u32 s0, $0xA;
	s2 =	sadd.s32 s3, s2  }
0x8d: {  	s2 =	sadd.s32 s2, s17  }
0x8e: {  	[smem:$0x3FB8] =	sst s2  }
0x8f: {  	_ = 	snop  }
0x90: {  	s18 =	sld [smem:$0x3FD0];
	(tm) =	ssettm $0x1  }
0x91: {  	s19 =	sld [smem:$0x3FFB];
	_ =	sdelay $0x3  }
0x92: {  	_ =	strace s19  }
0x93: {  	s2 =	sld [smem:$0x3FFC];
	_ =	sdelay $0x3  }
0x94: {  	_ =	strace s2  }
0x95: {  	s2 =	sld [smem:$0x3FFD];
	_ =	sdelay $0x3  }
0x96: {  	_ =	strace s2  }
0x97: {  	_ =	strace $0x8FFFFFFF  }
0x98: {  	s20 =	sld [smem:$0x3FDB];
	_ =	sdelay $0x1  }
0x99: {  	s4 =	simm.s32 $_scs_section_size  }
0x9a: {  	s5 =	simm.s32 $_size__tile_overlayer_lowered;
	s6 =	simm.s32 $_tile_overlayer_lowered  }
0x9b: {  	s7 =	simm.s32 $0x1BFF;
	s21 =	sshll.u32 s6, $0x1;
	s4 =	sadd.s32 s4, s20  }
0x9c: {  	s22 =	simm.s32 $0x0;
	s5 =	sshll.u32 s5, $0x1;
	s6 =	sadd.s32 s21, s4  }
0x9d: {  	[timem:s22], [sflag:s7] =	dma.local [hbm:s6], s5  }
0x9e: {  	_ =	swait.ge [sflag:s7], s5  }
0x9f: {  	s5 =	ssub.s32 $0x0, s5;
	[sflag:s7] =	ssyncset.done $0x0  }
0xa0: {  	[sflag:s7] =	ssyncadd.s32 s5;
	_ =	sdelay $0x1  }
0xa1: {  	s23 =	simm.s32 $0x1B8B  }
0xa2: {  	_ =	swait.ge [sflag:s23], $0x1  }
0xa3: {  	[sflag:s23] =	ssyncset.done $0x0  }
0xa4: {  	[sflag:s23] =	ssyncadd.s32 $0xFFFFFFFF  }
0xa5: {  	s5 =	sld [smem:$0x0]  }
0xa6: {  	s6 =	sand.u32 $0xFFFFFFFE, s1  }
0xa7: {  	p0 =	sne.s32 s1, s6  }
0xa8: {  	s6 =	sshll.u32 @p0 s6, $0xE  }
0xa9: {  	s6 =	sadd.s32 @p0 $0x11B8D, s6;
	s7 =	sshll.u32 @p0 s5, $0x11  }
0xaa: {  	s6 =	sor.u32 @p0 s7, s6  }
0xab: {  	[sflag:s6] =	ssyncadd.remote.s32 @p0 $0x1;
	_ =	sdelay $0x1  }
0xac: {  	s6 =	simm.s32 @p0 $0x1B8D  }
0xad: {  	_ =	swait.eq @p0 [sflag:s6], $0x1  }
0xae: {  	[sflag:s6] =	ssyncadd.s32 @p0 $0xFFFFFFFF  }
0xaf: {  	s7 =	sshll.u32 @!p0 s1, $0xE  }
0xb0: {  	s7 =	sor.u32 @!p0 $0x4000, s7;
	s6 =	simm.s32 @!p0 $0x1B8D  }
0xb1: {  	s5 =	sshll.u32 @!p0 s5, $0x11;
	s7 =	sadd.s32 @!p0 $0x11B8D, s7;
	_ =	swait.eq @!p0 [sflag:s6], $0x1  }
0xb2: {  	s5 =	sor.u32 @!p0 s5, s7;
	[sflag:s6] =	ssyncadd.s32 @!p0 $0xFFFFFFFF  }
0xb3: {  	s25 =	simm.s32 $0x1B8E;
	s24 =	sld [smem:$0x3FFE];
	[sflag:s5] =	ssyncadd.remote.s32 @!p0 $0x1  }
0xb4: {  	s26 =	simm.s32 $execute0_lowered;
	[smem:$0x3FD2] =	sst s25  }
0xb5: {  	s6 =	sshll.u32 s26, $0x1;
	_ =	strace $0x80000049;
	[dreg:$0x1] =	wrdreg $0xFFFFFFFF  }
0xb6: {  	s28 =	simm.s32 $_size_execute0_lowered;
	s4 =	sadd.s32 s4, s6;
	[dreg:$0x0] =	wrdreg $0x0  }
0xb7: {  	s6 =	sshll.u32 s28, $0x1;
	[dreg:$0x2] =	wrdreg s4  }
0xb8: {  	[dreg:$0x3] =	wrdreg s6  }
0xb9: {  	[dreg:$0x4] =	wrdreg $0xC0  }
0xba: {  	_ =	task [dreg:s22], $0x5FFFF  }
0xbb: {  	[dreg:$0x1] =	wrdreg $0xFFFFFFFF  }
0xbc: {  	[dreg:$0x0] =	wrdreg $0x60  }
0xbd: {  	[dreg:$0x2] =	wrdreg s18  }
0xbe: {  	[dreg:$0x3] =	wrdreg s24  }
0xbf: {  	[dreg:$0x4] =	wrdreg $0xA  }
0xc0: {  	_ =	task.clear_ibuf [dreg:s22], $0x5FFFF;
	_ =	strace $0x90000049  }
0xc1: {  	s29 =	simm.s32 $0xA;
	_ =	strace $0x8000004B  }
0xc2: {  	_ =	swait.ge [sflag:s29], $0x1  }
0xc3: {  	[sflag:s29] =	ssyncadd.s32 $0xFFFFFFFF  }
0xc4: {  	_ =	strace $0x9000004B  }
0xc5: {  	_ =	sfence  }
0xc6: {  	s30 =	sld [smem:$0x0];
	_ =	sdelay $0x2  }
0xc7: {  	s31 =	sshll.u32 s1, $0xD;
	s1 =	sshrl.u32 s1, $0x2  }
0xc8: {  	s4 =	sand.u32 $0x4000, s31;
	s1 =	sadd.s32 s1, s30  }
0xc9: {  	s0 =	sor.u32 s4, s0;
	s1 =	sshll.u32 s1, $0x11  }
0xca: {  	s0 =	sor.u32 s1, s0  }
0xcb: {  	s0 =	sadd.s32 $0x8F2B, s0  }
0xcc: {  	[sflag:s0] =	ssyncadd.remote.s32 $0x1  }
0xcd: {  	_ =	sfence.sel $0xFFFF  }
0xce: {  	[dreg:$0x0] =	wrdreg $0xFFFFFFFF;
	(pc) =	sbr.abs _section_cstart, $3  }
0xcf: {  	[dreg:$0x1] =	wrdreg $0xFFFFFFFF  }
0xd0: {  	_ =	task.clear_ibuf [dreg:s22], $0x2FFFF;
	_ =	strace $0x9FFFFFFF  }
0xd1: {  	(tm) =	ssettm $0x7FFFFFFF  }
tec
execute0_lowered:
.L_overlay_start_1:
0x0: {  	(tag) =	ssettag $0x1  }
0x1: {  	s2 =	rddreg [dreg:$0x0]  }
0x2: {  	s4 =	rddreg [dreg:$0x1];
	s3 =	srdreg.scid  }
0x3: {  	s0 =	rddreg [dreg:$0x2];
	s1 =	stileid.u32  }
0x4: {  	s10 =	simm.s32 $0x1;
	s11 =	simm.s32 $0x0;
	s5 =	sand.u32 $0x1, s3  }
0x5: {  	s3 =	simm.s32 $0x0;
	s6 =	sshll.u32 s1, $0xD;
	s8 =	sshll.u32 s1, $0x11  }
0x6: {  	s7 =	sshll.u32 s5, $0xC;
	[smem:$0x7FF] =	sst s3;
	s29 =	ssub.s32 $0x2, s5  }
0x7: {  	s8 =	sadd.s32 s8, s4;
	s30 =	sshll.u32 s5, $0x10;
	s6 =	sor.u32 s7, s6  }
0x8: {  	_ =	strace $0x8000004A;
	s9 =	sshrl.u32 s29, $0x1;
	s31 =	sadd.s32 s30, s8  }
0x9: {  	s8 =	simm.s32 $0x80;
	s6 =	sshrl.u32 s6, $0x3;
	s7 =	ssub.s32 s29, s9  }
0xa: {  	s9 =	simm.s32 $0x1000;
	s6 =	sadd.s32 s6, s4;
	s5 =	smax.u32 s7, $0x1  }
0xb: {  	s7 =	simm.s32 $0x2;
	s4 =	sadd.s32 $0x209E00, s6;
	s6 =	sadd.s32 $0x20DE00, s31  }
.LBB2_1:
0xc: {  	[tilespmem:s3], [sflag:$0x2] =	stream.linear.gather [hbm4b:s4+s3], $0x1000, $0x38;
	[tilespmem:$0x5000] =	vst v63  }
0xd: {  	_ =	swait.ge [sflag:s7], $0x1000  }
0xe: {  	[sflag:s7] =	ssyncset.done $0x0  }
0xf: {  	s12 =	simm.s32 $0x0;
	[sflag:s7] =	ssyncadd.s32 $0xFFFFF000  }
0x10: {  	[tilespmem:s9], [sflag:$0x1] =	stream.indirect.gather [hbm4b:s2+s8], $0x80, s12, s8, $0xb8;
	[tilespmem:$0x5000] =	vst v63  }
0x11: {  	_ =	swait.ge [sflag:s10], $0x4000  }
0x12: {  	[sflag:s10] =	ssyncset.done $0x0  }
0x13: {  	[sflag:s10] =	ssyncadd.s32 $0xFFFFC000  }
0x14: {  	[hbm4b:s6+s3] =	stream.linear.scatter [tilespmem:s9], [sflag:$0x2], $0x4000, $0x38;
	[tilespmem:$0x5000] =	vst v63  }
0x15: {  	s13 =	simm.s32 $0x200;
	_ =	swait.ge [sflag:s7], $0x4000  }
0x16: {  	s14 =	simm.s32 $0x400;
	s12 =	sadd.s32 $0x800, s6;
	[sflag:s7] =	ssyncset.done $0x0  }
.LBB2_2:
0x17: {  	s15 =	sshra.s32 s13, $0x2  }
0x18: {  	[sflag:s7] =	ssyncadd.s32 $0xFFFFC000;
	s13 =	smov.u32 s14;
	s16 =	sadd.s32 $0x200, s14  }
0x19: {  	[tilespmem:s9], [sflag:$0x1] =	stream.indirect.gather [hbm4b:s2+s8], $0x80, s15, s8, $0xb8;
	[tilespmem:$0x5000] =	vst v63  }
0x1a: {  	p0 =	sne.s32 s14, $0x3E00;
	_ =	swait.ge [sflag:s10], $0x4000  }
.Ltmp0:
0x1b: {  	[sflag:s10] =	ssyncset.done $0x0;
	(pc) =	sbr.rel @p0 .LBB2_2-.Ltmp0, $4  }
0x1c: {  	[sflag:s10] =	ssyncadd.s32 $0xFFFFC000  }
0x1d: {  	[hbm4b:s12+s3] =	stream.linear.scatter [tilespmem:s9], [sflag:$0x2], $0x4000, $0x38;
	[tilespmem:$0x5000] =	vst v63  }
0x1e: {  	_ =	swait.ge [sflag:s7], $0x4000  }
0x1f: {  	s14 =	smov.u32 s16;
	s12 =	sadd.s32 $0x800, s12;
	[sflag:s7] =	ssyncset.done $0x0  }
0x20: {  	s13 =	sshra.s32 s13, $0x2;
	[sflag:s7] =	ssyncadd.s32 $0xFFFFC000  }
0x21: {  	[tilespmem:s9], [sflag:$0x1] =	stream.indirect.gather [hbm4b:s2+s8], $0x80, s13, s8, $0xb8;
	[tilespmem:$0x5000] =	vst v63  }
0x22: {  	s11 =	sadd.s32 $0x1, s11;
	_ =	swait.ge [sflag:s10], $0x4000  }
0x23: {  	p0 =	sne.s32 s11, s5;
	[sflag:s10] =	ssyncset.done $0x0  }
.Ltmp1:
0x24: {  	[sflag:s10] =	ssyncadd.s32 $0xFFFFC000;
	(pc) =	sbr.rel @p0 .LBB2_1-.Ltmp1, $4  }
0x25: {  	[hbm4b:s12+s3] =	stream.linear.scatter [tilespmem:s9], [sflag:$0x2], $0x4000, $0x38;
	[tilespmem:$0x5000] =	vst v63  }
0x26: {  	_ =	swait.ge [sflag:s7], $0x4000  }
0x27: {  	[sflag:s7] =	ssyncset.done $0x0  }
0x28: {  	[sflag:s7] =	ssyncadd.s32 $0xFFFFC000  }
0x29: {  	_ =	sfence.sel $0x180000  }
0x2a: {  	[bflag:$0x0] =	sbarrier.arrive $0xFFFF  }
0x2b: {  	p0 =	sne.s32 s1, $0x0;
	_ =	strace $0x9000004A  }
0x2c: {  	s0 =	sadd.s32 @!p0 $0x100000, s0;
	[bflag:$0x2] =	sbarrier.arrive $0xFFFF  }
0x2d: {  	[sflag:s0] =	ssyncadd.tile.s32 @!p0 $0x1;
	_ =	shalt  }
.Lfunc_end2:
_tile_overlayer_lowered:
.L_overlay_start_2:
0x2e: {  	(tag) =	ssettag $0x2  }
0x2f: {  	s0 =	rddreg [dreg:$0x0];
	s2 =	stileid.u32  }
0x30: {  	s1 =	rddreg [dreg:$0x1];
	p0 =	sne.s32 s2, $0x0  }
0x31: {  	s3 =	rddreg [dreg:$0x2];
	[bflag:$0x3] =	sbarrier.arrive $0xFFFF;
	s2 =	simm.s32 @!p0 $0x1C02  }
0x32: {  	[timem:s3], [sflag:s2] =	dma.local @!p0 [hbm:s0], s1  }
0x33: {  	s0 =	simm.s32 @!p0 $0x2  }
0x34: {  	_ =	swait.ge @!p0 [sflag:s0], s1  }
0x35: {  	s1 =	ssub.s32 @!p0 $0x0, s1;
	[sflag:s0] =	ssyncset.done @!p0 $0x0  }
0x36: {  	[sflag:s0] =	ssyncadd.s32 @!p0 s1  }
0x37: {  	[bflag:$0x3] =	sbarrier.arrive $0xFFFF  }
0x38: {  	_ =	shalt  }

</sc_bundles>
